<compile_context>
chip_gen: v7x
topology: tpu7x:2x2x1
jax: 0.10.2.dev20260603
libtpu: 0.0.44.dev20260713+nightly
codegen_flags: <defaults>
</compile_context>

<pallas_src>
import functools

import jax
import jax.numpy as jnp
from jax import lax
from jax.experimental import pallas as pl
from jax.experimental.pallas import tpu as pltpu
from jax.experimental.pallas import tpu_sc as plsc

VOCAB = 100000
EMBED = 64
NC = 2
NS = 16
NW = NC * NS
LANES = 16
UNROLL = 16
NBUF = 3


@jax.jit
def _gather_t(idx_t, table_t):
    seq, batch = idx_t.shape
    n_groups = batch // (LANES * UNROLL)
    n_tri = seq // NBUF

    @functools.partial(
        pl.kernel,
        out_type=jax.ShapeDtypeStruct((seq, EMBED, batch), jnp.float32),
        mesh=plsc.VectorSubcoreMesh(core_axis_name="c", subcore_axis_name="s"),
        scratch_types=[
            pltpu.VMEM((VOCAB,), jnp.float32),
            pltpu.VMEM((batch,), jnp.int32),
            pltpu.VMEM((batch,), jnp.int32),
            pltpu.VMEM((batch,), jnp.int32),
            pltpu.VMEM((batch,), jnp.float32),
            pltpu.VMEM((batch,), jnp.float32),
            pltpu.VMEM((batch,), jnp.float32),
            pltpu.SemaphoreType.DMA,
            pltpu.SemaphoreType.DMA,
            pltpu.SemaphoreType.DMA,
            pltpu.SemaphoreType.DMA,
            pltpu.SemaphoreType.DMA,
            pltpu.SemaphoreType.DMA,
        ],
        compiler_params=pltpu.CompilerParams(needs_layout_passes=False),
    )
    def k(idx_hbm, table_hbm, out_hbm, plane_v,
          xs0, xs1, xs2, ov0, ov1, ov2, sx0, sx1, sx2, so0, so1, so2):
        xs = (xs0, xs1, xs2)
        ov = (ov0, ov1, ov2)
        sx = (sx0, sx1, sx2)
        so = (so0, so1, so2)
        wid = lax.axis_index("s") * NC + lax.axis_index("c")

        def xs_wait(j):
            pltpu.make_async_copy(idx_hbm.at[0], xs[j], sx[j]).wait()

        def out_drain(j):
            pltpu.make_async_copy(ov[j], out_hbm.at[0, 0], so[j]).wait()

        def compute(j):
            @plsc.parallel_loop(0, batch // LANES, unroll=UNROLL)
            def c_body(c):
                off = pl.multiple_of(c * LANES, LANES)
                iv = xs[j][pl.ds(off, LANES)]
                ov[j][pl.ds(off, LANES)] = plsc.load_gather(plane_v, [iv])

        for p in (0, 1):
            d = wid + NW * p
            pltpu.sync_copy(table_hbm.at[d], plane_v)
            pltpu.async_copy(idx_hbm.at[0], xs[0], sx[0])
            pltpu.async_copy(idx_hbm.at[1], xs[1], sx[1])

            def s_tri(t, carry, d=d):
                for j in range(NBUF):
                    s = t * NBUF + j
                    jn = (j + 2) % NBUF
                    pltpu.async_copy(idx_hbm.at[s + 2], xs[jn], sx[jn])
                    @pl.when(t >= 1)
                    def _():
                        out_drain(j)
                    xs_wait(j)
                    plsc.subcore_barrier()
                    compute(j)
                    plsc.subcore_barrier()
                    pltpu.async_copy(ov[j], out_hbm.at[s, d], so[j])
                return carry

            lax.fori_loop(0, n_tri, s_tri, 0)

            for s, j in ((seq - 2, 0), (seq - 1, 1)):
                out_drain(j)
                xs_wait(j)
                plsc.subcore_barrier()
                compute(j)
                plsc.subcore_barrier()
                pltpu.async_copy(ov[j], out_hbm.at[s, d], so[j])
            out_drain(2)
            out_drain(0)
            out_drain(1)

    return k(idx_t, table_t)


def kernel(x, table):
    b, s = x.shape
    out_t = _gather_t(x.T, table.T)
    return jnp.transpose(out_t, (2, 0, 1))

# --- scband reference (transcript-rebuilt; emitter-appended) ---
"""Pipeline reference for scband-embedding-10376640987258 (READ-ONLY COPY).

The authoritative reference and input builder live on the scoring server;
editing this copy changes nothing except your own understanding.
"""

import jax, jax.numpy as jnp
import numpy as np

VOCAB = 100000
EMBED_DIM = 64
BATCH = 4096
SEQ_LEN = 200

def setup_inputs(seed: int = 0) -> dict:
    key = jax.random.key(seed)
    k_idx, k_tab = jax.random.split(key)
    x = jax.random.randint(k_idx, (BATCH, SEQ_LEN), 0, VOCAB, dtype=jnp.int64 if jax.config.jax_enable_x64 else jnp.int32)
    table = jax.random.normal(k_tab, (VOCAB, EMBED_DIM), dtype=jnp.float32)
    return {"x": x, "table": table}

def reference(x, table):
    # nn.Embedding.from_pretrained(embeddings)(x) -> table[x]
    embedded = jnp.take(table, x, axis=0)
    return embedded

if __name__ == "__main__":
    import jax
    _d = setup_inputs()
    print(jax.jit(kernel)(*tuple(_d.values())))

</pallas_src>

<mosaic_0001>
#map = affine_map<(d0, d1) -> (0, 0)>
#map1 = affine_map<(d0, d1) -> (0, 0, 0)>
module attributes {stable_mosaic.version = 14 : i64} {
  func.func @k(%arg0: i32, %arg1: i32, %arg2: memref<200x4096xi32, #tpu.memory_space<hbm>>, %arg3: memref<64x100000xf32, #tpu.memory_space<hbm>>, %arg4: memref<200x64x4096xf32, #tpu.memory_space<hbm>>, %arg5: memref<100000xf32, #tpu.memory_space<vmem>>, %arg6: memref<4096xi32, #tpu.memory_space<vmem>>, %arg7: memref<4096xi32, #tpu.memory_space<vmem>>, %arg8: memref<4096xi32, #tpu.memory_space<vmem>>, %arg9: memref<4096xf32, #tpu.memory_space<vmem>>, %arg10: memref<4096xf32, #tpu.memory_space<vmem>>, %arg11: memref<4096xf32, #tpu.memory_space<vmem>>, %arg12: memref<!tpu.dma_semaphore, #tpu.memory_space<semaphore_mem>>, %arg13: memref<!tpu.dma_semaphore, #tpu.memory_space<semaphore_mem>>, %arg14: memref<!tpu.dma_semaphore, #tpu.memory_space<semaphore_mem>>, %arg15: memref<!tpu.dma_semaphore, #tpu.memory_space<semaphore_mem>>, %arg16: memref<!tpu.dma_semaphore, #tpu.memory_space<semaphore_mem>>, %arg17: memref<!tpu.dma_semaphore, #tpu.memory_space<semaphore_mem>>) attributes {dimension_semantics = [#tpu.dimension_semantics<core_parallel>, #tpu.dimension_semantics<subcore_parallel>], iteration_bounds = array<i64: 2, 16>, scalar_prefetch = 0 : i64, scratch_operands = 13 : i64, tpu.core_type = #tpu.core_type<sc_vector_subcore>, window_params = [{transform_indices = #map}, {transform_indices = #map}, {transform_indices = #map1}]} {
    %mul3A = arith.constant 2 : i32
    %mul3A_0 = arith.muli %arg1, %mul3A : i32
    %add3A = arith.addi %mul3A_0, %arg0 : i32
    %add3A_1 = arith.constant 0 : i32
    %add3A_2 = arith.addi %add3A, %add3A_1 : i32
    "tpu.region"() ({
      %run_scoped3A = tpu.sem_alloc : memref<!tpu.dma_semaphore, #tpu.memory_space<semaphore_mem>>
      %dma_start3A_196 = arith.constant 0 : i32
      %dma_start3A_197 = tpu.memref_slice %arg3[%add3A_2, %dma_start3A_196] : memref<64x100000xf32, #tpu.memory_space<hbm>> -> memref<1x100000xf32, #tpu.memory_space<hbm>>
      %dma_start3A_198 = tpu.memref_squeeze %dma_start3A_197 : memref<1x100000xf32, #tpu.memory_space<hbm>> -> memref<100000xf32, #tpu.memory_space<hbm>>
      %dma_start3A_199 = arith.constant 0 : i32
      %dma_start3A_200 = tpu.memref_slice %arg3[%add3A_2, %dma_start3A_199] : memref<64x100000xf32, #tpu.memory_space<hbm>> -> memref<1x100000xf32, #tpu.memory_space<hbm>>
      %dma_start3A_201 = tpu.memref_squeeze %dma_start3A_200 : memref<1x100000xf32, #tpu.memory_space<hbm>> -> memref<100000xf32, #tpu.memory_space<hbm>>
      tpu.enqueue_dma source(%dma_start3A_201 : memref<100000xf32, #tpu.memory_space<hbm>>) target(%arg5 : memref<100000xf32, #tpu.memory_space<vmem>>) target_semaphore(%run_scoped3A : memref<!tpu.dma_semaphore, #tpu.memory_space<semaphore_mem>>)
      %dma_wait3A_202 = arith.constant 0 : i32
      %dma_wait3A_203 = tpu.memref_slice %arg3[%add3A_2, %dma_wait3A_202] : memref<64x100000xf32, #tpu.memory_space<hbm>> -> memref<1x100000xf32, #tpu.memory_space<hbm>>
      %dma_wait3A_204 = tpu.memref_squeeze %dma_wait3A_203 : memref<1x100000xf32, #tpu.memory_space<hbm>> -> memref<100000xf32, #tpu.memory_space<hbm>>
      %dma_wait3A_205 = arith.constant 0 : i32
      %dma_wait3A_206 = tpu.memref_slice %arg3[%add3A_2, %dma_wait3A_205] : memref<64x100000xf32, #tpu.memory_space<hbm>> -> memref<1x100000xf32, #tpu.memory_space<hbm>>
      %dma_wait3A_207 = tpu.memref_squeeze %dma_wait3A_206 : memref<1x100000xf32, #tpu.memory_space<hbm>> -> memref<100000xf32, #tpu.memory_space<hbm>>
      tpu.wait_dma2 semaphore(%run_scoped3A : memref<!tpu.dma_semaphore, #tpu.memory_space<semaphore_mem>>) src(%dma_wait3A_207 : memref<100000xf32, #tpu.memory_space<hbm>>) dst(%arg5 : memref<100000xf32, #tpu.memory_space<vmem>>)
      tpu.yield
    }) : () -> ()
    %dma_start3A = arith.constant 0 : i32
    %dma_start3A_3 = arith.constant 0 : i32
    %dma_start3A_4 = tpu.memref_slice %arg2[%dma_start3A, %dma_start3A_3] : memref<200x4096xi32, #tpu.memory_space<hbm>> -> memref<1x4096xi32, #tpu.memory_space<hbm>>
    %dma_start3A_5 = tpu.memref_squeeze %dma_start3A_4 : memref<1x4096xi32, #tpu.memory_space<hbm>> -> memref<4096xi32, #tpu.memory_space<hbm>>
    %dma_start3A_6 = arith.constant 0 : i32
    %dma_start3A_7 = tpu.memref_slice %arg2[%dma_start3A, %dma_start3A_6] : memref<200x4096xi32, #tpu.memory_space<hbm>> -> memref<1x4096xi32, #tpu.memory_space<hbm>>
    %dma_start3A_8 = tpu.memref_squeeze %dma_start3A_7 : memref<1x4096xi32, #tpu.memory_space<hbm>> -> memref<4096xi32, #tpu.memory_space<hbm>>
    tpu.enqueue_dma source(%dma_start3A_8 : memref<4096xi32, #tpu.memory_space<hbm>>) target(%arg6 : memref<4096xi32, #tpu.memory_space<vmem>>) target_semaphore(%arg12 : memref<!tpu.dma_semaphore, #tpu.memory_space<semaphore_mem>>)
    %dma_start3A_9 = arith.constant 1 : i32
    %dma_start3A_10 = arith.constant 0 : i32
    %dma_start3A_11 = tpu.memref_slice %arg2[%dma_start3A_9, %dma_start3A_10] : memref<200x4096xi32, #tpu.memory_space<hbm>> -> memref<1x4096xi32, #tpu.memory_space<hbm>>
    %dma_start3A_12 = tpu.memref_squeeze %dma_start3A_11 : memref<1x4096xi32, #tpu.memory_space<hbm>> -> memref<4096xi32, #tpu.memory_space<hbm>>
    %dma_start3A_13 = arith.constant 0 : i32
    %dma_start3A_14 = tpu.memref_slice %arg2[%dma_start3A_9, %dma_start3A_13] : memref<200x4096xi32, #tpu.memory_space<hbm>> -> memref<1x4096xi32, #tpu.memory_space<hbm>>
    %dma_start3A_15 = tpu.memref_squeeze %dma_start3A_14 : memref<1x4096xi32, #tpu.memory_space<hbm>> -> memref<4096xi32, #tpu.memory_space<hbm>>
    tpu.enqueue_dma source(%dma_start3A_15 : memref<4096xi32, #tpu.memory_space<hbm>>) target(%arg7 : memref<4096xi32, #tpu.memory_space<vmem>>) target_semaphore(%arg13 : memref<!tpu.dma_semaphore, #tpu.memory_space<semaphore_mem>>)
    %scan3A = arith.constant 0 : i32
    %scan3A_16 = arith.constant 0 : i32
    %scan3A_17 = arith.constant 66 : i32
    %scan3A_18 = arith.addi %scan3A_16, %scan3A_17 : i32
    %scan3A_19 = arith.constant 1 : i32
    scf.for %scan3A_196 = %scan3A_16 to %scan3A_18 step %scan3A_19  : i32 {
      %mul3A_197 = arith.constant 3 : i32
      %mul3A_198 = arith.muli %scan3A_196, %mul3A_197 : i32
      %add3A_199 = arith.constant 0 : i32
      %add3A_200 = arith.addi %mul3A_198, %add3A_199 : i32
      %add3A_201 = arith.constant 2 : i32
      %add3A_202 = arith.addi %add3A_200, %add3A_201 : i32
      %dma_start3A_203 = arith.constant 0 : i32
      %dma_start3A_204 = tpu.memref_slice %arg2[%add3A_202, %dma_start3A_203] : memref<200x4096xi32, #tpu.memory_space<hbm>> -> memref<1x4096xi32, #tpu.memory_space<hbm>>
      %dma_start3A_205 = tpu.memref_squeeze %dma_start3A_204 : memref<1x4096xi32, #tpu.memory_space<hbm>> -> memref<4096xi32, #tpu.memory_space<hbm>>
      %dma_start3A_206 = arith.constant 0 : i32
      %dma_start3A_207 = tpu.memref_slice %arg2[%add3A_202, %dma_start3A_206] : memref<200x4096xi32, #tpu.memory_space<hbm>> -> memref<1x4096xi32, #tpu.memory_space<hbm>>
      %dma_start3A_208 = tpu.memref_squeeze %dma_start3A_207 : memref<1x4096xi32, #tpu.memory_space<hbm>> -> memref<4096xi32, #tpu.memory_space<hbm>>
      tpu.enqueue_dma source(%dma_start3A_208 : memref<4096xi32, #tpu.memory_space<hbm>>) target(%arg8 : memref<4096xi32, #tpu.memory_space<vmem>>) target_semaphore(%arg14 : memref<!tpu.dma_semaphore, #tpu.memory_space<semaphore_mem>>)
      %ge3A = arith.constant 1 : i32
      %ge3A_209 = arith.cmpi sge, %scan3A_196, %ge3A : i32
      %convert_element_type3A = arith.extui %ge3A_209 : i1 to i32
      %cond3A = arith.constant 0 : i32
      %cond3A_210 = arith.cmpi ne, %convert_element_type3A, %cond3A : i32
      scf.if %cond3A_210 {
        %dma_wait3A_299 = arith.constant 0 : i32
        %dma_wait3A_300 = arith.constant 0 : i32
        %dma_wait3A_301 = arith.constant 0 : i32
        %dma_wait3A_302 = tpu.memref_slice %arg4[%dma_wait3A_299, %dma_wait3A_300, %dma_wait3A_301] : memref<200x64x4096xf32, #tpu.memory_space<hbm>> -> memref<1x1x4096xf32, #tpu.memory_space<hbm>>
        %dma_wait3A_303 = tpu.memref_squeeze %dma_wait3A_302 : memref<1x1x4096xf32, #tpu.memory_space<hbm>> -> memref<4096xf32, #tpu.memory_space<hbm>>
        %dma_wait3A_304 = arith.constant 0 : i32
        %dma_wait3A_305 = tpu.memref_slice %arg4[%dma_wait3A_299, %dma_wait3A_300, %dma_wait3A_304] : memref<200x64x4096xf32, #tpu.memory_space<hbm>> -> memref<1x1x4096xf32, #tpu.memory_space<hbm>>
        %dma_wait3A_306 = tpu.memref_squeeze %dma_wait3A_305 : memref<1x1x4096xf32, #tpu.memory_space<hbm>> -> memref<4096xf32, #tpu.memory_space<hbm>>
        tpu.wait_dma2 semaphore(%arg15 : memref<!tpu.dma_semaphore, #tpu.memory_space<semaphore_mem>>) src(%arg9 : memref<4096xf32, #tpu.memory_space<vmem>>) dst(%dma_wait3A_306 : memref<4096xf32, #tpu.memory_space<hbm>>)
      } else {
      }
      %dma_wait3A_211 = arith.constant 0 : i32
      %dma_wait3A_212 = arith.constant 0 : i32
      %dma_wait3A_213 = tpu.memref_slice %arg2[%dma_wait3A_211, %dma_wait3A_212] : memref<200x4096xi32, #tpu.memory_space<hbm>> -> memref<1x4096xi32, #tpu.memory_space<hbm>>
      %dma_wait3A_214 = tpu.memref_squeeze %dma_wait3A_213 : memref<1x4096xi32, #tpu.memory_space<hbm>> -> memref<4096xi32, #tpu.memory_space<hbm>>
      %dma_wait3A_215 = arith.constant 0 : i32
      %dma_wait3A_216 = tpu.memref_slice %arg2[%dma_wait3A_211, %dma_wait3A_215] : memref<200x4096xi32, #tpu.memory_space<hbm>> -> memref<1x4096xi32, #tpu.memory_space<hbm>>
      %dma_wait3A_217 = tpu.memref_squeeze %dma_wait3A_216 : memref<1x4096xi32, #tpu.memory_space<hbm>> -> memref<4096xi32, #tpu.memory_space<hbm>>
      tpu.wait_dma2 semaphore(%arg12 : memref<!tpu.dma_semaphore, #tpu.memory_space<semaphore_mem>>) src(%dma_wait3A_217 : memref<4096xi32, #tpu.memory_space<hbm>>) dst(%arg6 : memref<4096xi32, #tpu.memory_space<vmem>>)
      %barrier3A_218 = arith.constant 0 : index
      tpu.barrier barrier_id(%barrier3A_218)
      %parallel_loop3A_219 = arith.constant 0 : i32
      %parallel_loop3A_220 = arith.constant 256 : i32
      %parallel_loop3A_221 = arith.constant 1 : i32
      scf.for %parallel_loop3A_299 = %parallel_loop3A_219 to %parallel_loop3A_220 step %parallel_loop3A_221  : i32 {
        %parallel_loop3A_300 = arith.constant 16 : i32
        %parallel_loop3A_301 = arith.muli %parallel_loop3A_299, %parallel_loop3A_300 : i32
        %parallel_loop3A_302 = tpu.assume_multiple %parallel_loop3A_301, 16 : i32
        %parallel_loop3A_303 = arith.index_cast %parallel_loop3A_302 : i32 to index
        %parallel_loop3A_304 = tpu.vector_load %arg6[%parallel_loop3A_303] {strides = array<i32>} : memref<4096xi32, #tpu.memory_space<vmem>>, vector<16xi32>,
        %parallel_loop3A_305 = tpu.vector_load_idx %arg5[%parallel_loop3A_304] : memref<100000xf32, #tpu.memory_space<vmem>>[vector<16xi32>], vector<16xf32>,
        %parallel_loop3A_306 = arith.index_cast %parallel_loop3A_302 : i32 to index
        %parallel_loop3A_307 = tpu.vector_load %arg9[%parallel_loop3A_306] {strides = array<i32>} : memref<4096xf32, #tpu.memory_space<vmem>>, vector<16xf32>,
        tpu.vector_store %arg9[%parallel_loop3A_306], %parallel_loop3A_305 {strides = array<i32>} : memref<4096xf32, #tpu.memory_space<vmem>>, vector<16xf32>,
      } {sc.loop_unroll_factor = 16 : i64, sc.parallel_access}
      %barrier3A_222 = arith.constant 0 : index
      tpu.barrier barrier_id(%barrier3A_222)
      %dma_start3A_223 = arith.constant 0 : i32
      %dma_start3A_224 = tpu.memref_slice %arg4[%add3A_200, %add3A_2, %dma_start3A_223] : memref<200x64x4096xf32, #tpu.memory_space<hbm>> -> memref<1x1x4096xf32, #tpu.memory_space<hbm>>
      %dma_start3A_225 = tpu.memref_squeeze %dma_start3A_224 : memref<1x1x4096xf32, #tpu.memory_space<hbm>> -> memref<4096xf32, #tpu.memory_space<hbm>>
      %dma_start3A_226 = arith.constant 0 : i32
      %dma_start3A_227 = tpu.memref_slice %arg4[%add3A_200, %add3A_2, %dma_start3A_226] : memref<200x64x4096xf32, #tpu.memory_space<hbm>> -> memref<1x1x4096xf32, #tpu.memory_space<hbm>>
      %dma_start3A_228 = tpu.memref_squeeze %dma_start3A_227 : memref<1x1x4096xf32, #tpu.memory_space<hbm>> -> memref<4096xf32, #tpu.memory_space<hbm>>
      tpu.enqueue_dma source(%arg9 : memref<4096xf32, #tpu.memory_space<vmem>>) target(%dma_start3A_228 : memref<4096xf32, #tpu.memory_space<hbm>>) target_semaphore(%arg15 : memref<!tpu.dma_semaphore, #tpu.memory_space<semaphore_mem>>)
      %mul3A_229 = arith.constant 3 : i32
      %mul3A_230 = arith.muli %scan3A_196, %mul3A_229 : i32
      %add3A_231 = arith.constant 1 : i32
      %add3A_232 = arith.addi %mul3A_230, %add3A_231 : i32
      %add3A_233 = arith.constant 2 : i32
      %add3A_234 = arith.addi %add3A_232, %add3A_233 : i32
      %dma_start3A_235 = arith.constant 0 : i32
      %dma_start3A_236 = tpu.memref_slice %arg2[%add3A_234, %dma_start3A_235] : memref<200x4096xi32, #tpu.memory_space<hbm>> -> memref<1x4096xi32, #tpu.memory_space<hbm>>
      %dma_start3A_237 = tpu.memref_squeeze %dma_start3A_236 : memref<1x4096xi32, #tpu.memory_space<hbm>> -> memref<4096xi32, #tpu.memory_space<hbm>>
      %dma_start3A_238 = arith.constant 0 : i32
      %dma_start3A_239 = tpu.memref_slice %arg2[%add3A_234, %dma_start3A_238] : memref<200x4096xi32, #tpu.memory_space<hbm>> -> memref<1x4096xi32, #tpu.memory_space<hbm>>
      %dma_start3A_240 = tpu.memref_squeeze %dma_start3A_239 : memref<1x4096xi32, #tpu.memory_space<hbm>> -> memref<4096xi32, #tpu.memory_space<hbm>>
      tpu.enqueue_dma source(%dma_start3A_240 : memref<4096xi32, #tpu.memory_space<hbm>>) target(%arg6 : memref<4096xi32, #tpu.memory_space<vmem>>) target_semaphore(%arg12 : memref<!tpu.dma_semaphore, #tpu.memory_space<semaphore_mem>>)
      %ge3A_241 = arith.constant 1 : i32
      %ge3A_242 = arith.cmpi sge, %scan3A_196, %ge3A_241 : i32
      %convert_element_type3A_243 = arith.extui %ge3A_242 : i1 to i32
      %cond3A_244 = arith.constant 0 : i32
      %cond3A_245 = arith.cmpi ne, %convert_element_type3A_243, %cond3A_244 : i32
      scf.if %cond3A_245 {
        %dma_wait3A_299 = arith.constant 0 : i32
        %dma_wait3A_300 = arith.constant 0 : i32
        %dma_wait3A_301 = arith.constant 0 : i32
        %dma_wait3A_302 = tpu.memref_slice %arg4[%dma_wait3A_299, %dma_wait3A_300, %dma_wait3A_301] : memref<200x64x4096xf32, #tpu.memory_space<hbm>> -> memref<1x1x4096xf32, #tpu.memory_space<hbm>>
        %dma_wait3A_303 = tpu.memref_squeeze %dma_wait3A_302 : memref<1x1x4096xf32, #tpu.memory_space<hbm>> -> memref<4096xf32, #tpu.memory_space<hbm>>
        %dma_wait3A_304 = arith.constant 0 : i32
        %dma_wait3A_305 = tpu.memref_slice %arg4[%dma_wait3A_299, %dma_wait3A_300, %dma_wait3A_304] : memref<200x64x4096xf32, #tpu.memory_space<hbm>> -> memref<1x1x4096xf32, #tpu.memory_space<hbm>>
        %dma_wait3A_306 = tpu.memref_squeeze %dma_wait3A_305 : memref<1x1x4096xf32, #tpu.memory_space<hbm>> -> memref<4096xf32, #tpu.memory_space<hbm>>
        tpu.wait_dma2 semaphore(%arg16 : memref<!tpu.dma_semaphore, #tpu.memory_space<semaphore_mem>>) src(%arg10 : memref<4096xf32, #tpu.memory_space<vmem>>) dst(%dma_wait3A_306 : memref<4096xf32, #tpu.memory_space<hbm>>)
      } else {
      }
      %dma_wait3A_246 = arith.constant 0 : i32
      %dma_wait3A_247 = arith.constant 0 : i32
      %dma_wait3A_248 = tpu.memref_slice %arg2[%dma_wait3A_246, %dma_wait3A_247] : memref<200x4096xi32, #tpu.memory_space<hbm>> -> memref<1x4096xi32, #tpu.memory_space<hbm>>
      %dma_wait3A_249 = tpu.memref_squeeze %dma_wait3A_248 : memref<1x4096xi32, #tpu.memory_space<hbm>> -> memref<4096xi32, #tpu.memory_space<hbm>>
      %dma_wait3A_250 = arith.constant 0 : i32
      %dma_wait3A_251 = tpu.memref_slice %arg2[%dma_wait3A_246, %dma_wait3A_250] : memref<200x4096xi32, #tpu.memory_space<hbm>> -> memref<1x4096xi32, #tpu.memory_space<hbm>>
      %dma_wait3A_252 = tpu.memref_squeeze %dma_wait3A_251 : memref<1x4096xi32, #tpu.memory_space<hbm>> -> memref<4096xi32, #tpu.memory_space<hbm>>
      tpu.wait_dma2 semaphore(%arg13 : memref<!tpu.dma_semaphore, #tpu.memory_space<semaphore_mem>>) src(%dma_wait3A_252 : memref<4096xi32, #tpu.memory_space<hbm>>) dst(%arg7 : memref<4096xi32, #tpu.memory_space<vmem>>)
      %barrier3A_253 = arith.constant 0 : index
      tpu.barrier barrier_id(%barrier3A_253)
      %parallel_loop3A_254 = arith.constant 0 : i32
      %parallel_loop3A_255 = arith.constant 256 : i32
      %parallel_loop3A_256 = arith.constant 1 : i32
      scf.for %parallel_loop3A_299 = %parallel_loop3A_254 to %parallel_loop3A_255 step %parallel_loop3A_256  : i32 {
        %parallel_loop3A_300 = arith.constant 16 : i32
        %parallel_loop3A_301 = arith.muli %parallel_loop3A_299, %parallel_loop3A_300 : i32
        %parallel_loop3A_302 = tpu.assume_multiple %parallel_loop3A_301, 16 : i32
        %parallel_loop3A_303 = arith.index_cast %parallel_loop3A_302 : i32 to index
        %parallel_loop3A_304 = tpu.vector_load %arg7[%parallel_loop3A_303] {strides = array<i32>} : memref<4096xi32, #tpu.memory_space<vmem>>, vector<16xi32>,
        %parallel_loop3A_305 = tpu.vector_load_idx %arg5[%parallel_loop3A_304] : memref<100000xf32, #tpu.memory_space<vmem>>[vector<16xi32>], vector<16xf32>,
        %parallel_loop3A_306 = arith.index_cast %parallel_loop3A_302 : i32 to index
        %parallel_loop3A_307 = tpu.vector_load %arg10[%parallel_loop3A_306] {strides = array<i32>} : memref<4096xf32, #tpu.memory_space<vmem>>, vector<16xf32>,
        tpu.vector_store %arg10[%parallel_loop3A_306], %parallel_loop3A_305 {strides = array<i32>} : memref<4096xf32, #tpu.memory_space<vmem>>, vector<16xf32>,
      } {sc.loop_unroll_factor = 16 : i64, sc.parallel_access}
      %barrier3A_257 = arith.constant 0 : index
      tpu.barrier barrier_id(%barrier3A_257)
      %dma_start3A_258 = arith.constant 0 : i32
      %dma_start3A_259 = tpu.memref_slice %arg4[%add3A_232, %add3A_2, %dma_start3A_258] : memref<200x64x4096xf32, #tpu.memory_space<hbm>> -> memref<1x1x4096xf32, #tpu.memory_space<hbm>>
      %dma_start3A_260 = tpu.memref_squeeze %dma_start3A_259 : memref<1x1x4096xf32, #tpu.memory_space<hbm>> -> memref<4096xf32, #tpu.memory_space<hbm>>
      %dma_start3A_261 = arith.constant 0 : i32
      %dma_start3A_262 = tpu.memref_slice %arg4[%add3A_232, %add3A_2, %dma_start3A_261] : memref<200x64x4096xf32, #tpu.memory_space<hbm>> -> memref<1x1x4096xf32, #tpu.memory_space<hbm>>
      %dma_start3A_263 = tpu.memref_squeeze %dma_start3A_262 : memref<1x1x4096xf32, #tpu.memory_space<hbm>> -> memref<4096xf32, #tpu.memory_space<hbm>>
      tpu.enqueue_dma source(%arg10 : memref<4096xf32, #tpu.memory_space<vmem>>) target(%dma_start3A_263 : memref<4096xf32, #tpu.memory_space<hbm>>) target_semaphore(%arg16 : memref<!tpu.dma_semaphore, #tpu.memory_space<semaphore_mem>>)
      %mul3A_264 = arith.constant 3 : i32
      %mul3A_265 = arith.muli %scan3A_196, %mul3A_264 : i32
      %add3A_266 = arith.constant 2 : i32
      %add3A_267 = arith.addi %mul3A_265, %add3A_266 : i32
      %add3A_268 = arith.constant 2 : i32
      %add3A_269 = arith.addi %add3A_267, %add3A_268 : i32
      %dma_start3A_270 = arith.constant 0 : i32
      %dma_start3A_271 = tpu.memref_slice %arg2[%add3A_269, %dma_start3A_270] : memref<200x4096xi32, #tpu.memory_space<hbm>> -> memref<1x4096xi32, #tpu.memory_space<hbm>>
      %dma_start3A_272 = tpu.memref_squeeze %dma_start3A_271 : memref<1x4096xi32, #tpu.memory_space<hbm>> -> memref<4096xi32, #tpu.memory_space<hbm>>
      %dma_start3A_273 = arith.constant 0 : i32
      %dma_start3A_274 = tpu.memref_slice %arg2[%add3A_269, %dma_start3A_273] : memref<200x4096xi32, #tpu.memory_space<hbm>> -> memref<1x4096xi32, #tpu.memory_space<hbm>>
      %dma_start3A_275 = tpu.memref_squeeze %dma_start3A_274 : memref<1x4096xi32, #tpu.memory_space<hbm>> -> memref<4096xi32, #tpu.memory_space<hbm>>
      tpu.enqueue_dma source(%dma_start3A_275 : memref<4096xi32, #tpu.memory_space<hbm>>) target(%arg7 : memref<4096xi32, #tpu.memory_space<vmem>>) target_semaphore(%arg13 : memref<!tpu.dma_semaphore, #tpu.memory_space<semaphore_mem>>)
      %ge3A_276 = arith.constant 1 : i32
      %ge3A_277 = arith.cmpi sge, %scan3A_196, %ge3A_276 : i32
      %convert_element_type3A_278 = arith.extui %ge3A_277 : i1 to i32
      %cond3A_279 = arith.constant 0 : i32
      %cond3A_280 = arith.cmpi ne, %convert_element_type3A_278, %cond3A_279 : i32
      scf.if %cond3A_280 {
        %dma_wait3A_299 = arith.constant 0 : i32
        %dma_wait3A_300 = arith.constant 0 : i32
        %dma_wait3A_301 = arith.constant 0 : i32
        %dma_wait3A_302 = tpu.memref_slice %arg4[%dma_wait3A_299, %dma_wait3A_300, %dma_wait3A_301] : memref<200x64x4096xf32, #tpu.memory_space<hbm>> -> memref<1x1x4096xf32, #tpu.memory_space<hbm>>
        %dma_wait3A_303 = tpu.memref_squeeze %dma_wait3A_302 : memref<1x1x4096xf32, #tpu.memory_space<hbm>> -> memref<4096xf32, #tpu.memory_space<hbm>>
        %dma_wait3A_304 = arith.constant 0 : i32
        %dma_wait3A_305 = tpu.memref_slice %arg4[%dma_wait3A_299, %dma_wait3A_300, %dma_wait3A_304] : memref<200x64x4096xf32, #tpu.memory_space<hbm>> -> memref<1x1x4096xf32, #tpu.memory_space<hbm>>
        %dma_wait3A_306 = tpu.memref_squeeze %dma_wait3A_305 : memref<1x1x4096xf32, #tpu.memory_space<hbm>> -> memref<4096xf32, #tpu.memory_space<hbm>>
        tpu.wait_dma2 semaphore(%arg17 : memref<!tpu.dma_semaphore, #tpu.memory_space<semaphore_mem>>) src(%arg11 : memref<4096xf32, #tpu.memory_space<vmem>>) dst(%dma_wait3A_306 : memref<4096xf32, #tpu.memory_space<hbm>>)
      } else {
      }
      %dma_wait3A_281 = arith.constant 0 : i32
      %dma_wait3A_282 = arith.constant 0 : i32
      %dma_wait3A_283 = tpu.memref_slice %arg2[%dma_wait3A_281, %dma_wait3A_282] : memref<200x4096xi32, #tpu.memory_space<hbm>> -> memref<1x4096xi32, #tpu.memory_space<hbm>>
      %dma_wait3A_284 = tpu.memref_squeeze %dma_wait3A_283 : memref<1x4096xi32, #tpu.memory_space<hbm>> -> memref<4096xi32, #tpu.memory_space<hbm>>
      %dma_wait3A_285 = arith.constant 0 : i32
      %dma_wait3A_286 = tpu.memref_slice %arg2[%dma_wait3A_281, %dma_wait3A_285] : memref<200x4096xi32, #tpu.memory_space<hbm>> -> memref<1x4096xi32, #tpu.memory_space<hbm>>
      %dma_wait3A_287 = tpu.memref_squeeze %dma_wait3A_286 : memref<1x4096xi32, #tpu.memory_space<hbm>> -> memref<4096xi32, #tpu.memory_space<hbm>>
      tpu.wait_dma2 semaphore(%arg14 : memref<!tpu.dma_semaphore, #tpu.memory_space<semaphore_mem>>) src(%dma_wait3A_287 : memref<4096xi32, #tpu.memory_space<hbm>>) dst(%arg8 : memref<4096xi32, #tpu.memory_space<vmem>>)
      %barrier3A_288 = arith.constant 0 : index
      tpu.barrier barrier_id(%barrier3A_288)
      %parallel_loop3A_289 = arith.constant 0 : i32
      %parallel_loop3A_290 = arith.constant 256 : i32
      %parallel_loop3A_291 = arith.constant 1 : i32
      scf.for %parallel_loop3A_299 = %parallel_loop3A_289 to %parallel_loop3A_290 step %parallel_loop3A_291  : i32 {
        %parallel_loop3A_300 = arith.constant 16 : i32
        %parallel_loop3A_301 = arith.muli %parallel_loop3A_299, %parallel_loop3A_300 : i32
        %parallel_loop3A_302 = tpu.assume_multiple %parallel_loop3A_301, 16 : i32
        %parallel_loop3A_303 = arith.index_cast %parallel_loop3A_302 : i32 to index
        %parallel_loop3A_304 = tpu.vector_load %arg8[%parallel_loop3A_303] {strides = array<i32>} : memref<4096xi32, #tpu.memory_space<vmem>>, vector<16xi32>,
        %parallel_loop3A_305 = tpu.vector_load_idx %arg5[%parallel_loop3A_304] : memref<100000xf32, #tpu.memory_space<vmem>>[vector<16xi32>], vector<16xf32>,
        %parallel_loop3A_306 = arith.index_cast %parallel_loop3A_302 : i32 to index
        %parallel_loop3A_307 = tpu.vector_load %arg11[%parallel_loop3A_306] {strides = array<i32>} : memref<4096xf32, #tpu.memory_space<vmem>>, vector<16xf32>,
        tpu.vector_store %arg11[%parallel_loop3A_306], %parallel_loop3A_305 {strides = array<i32>} : memref<4096xf32, #tpu.memory_space<vmem>>, vector<16xf32>,
      } {sc.loop_unroll_factor = 16 : i64, sc.parallel_access}
      %barrier3A_292 = arith.constant 0 : index
      tpu.barrier barrier_id(%barrier3A_292)
      %dma_start3A_293 = arith.constant 0 : i32
      %dma_start3A_294 = tpu.memref_slice %arg4[%add3A_267, %add3A_2, %dma_start3A_293] : memref<200x64x4096xf32, #tpu.memory_space<hbm>> -> memref<1x1x4096xf32, #tpu.memory_space<hbm>>
      %dma_start3A_295 = tpu.memref_squeeze %dma_start3A_294 : memref<1x1x4096xf32, #tpu.memory_space<hbm>> -> memref<4096xf32, #tpu.memory_space<hbm>>
      %dma_start3A_296 = arith.constant 0 : i32
      %dma_start3A_297 = tpu.memref_slice %arg4[%add3A_267, %add3A_2, %dma_start3A_296] : memref<200x64x4096xf32, #tpu.memory_space<hbm>> -> memref<1x1x4096xf32, #tpu.memory_space<hbm>>
      %dma_start3A_298 = tpu.memref_squeeze %dma_start3A_297 : memref<1x1x4096xf32, #tpu.memory_space<hbm>> -> memref<4096xf32, #tpu.memory_space<hbm>>
      tpu.enqueue_dma source(%arg11 : memref<4096xf32, #tpu.memory_space<vmem>>) target(%dma_start3A_298 : memref<4096xf32, #tpu.memory_space<hbm>>) target_semaphore(%arg17 : memref<!tpu.dma_semaphore, #tpu.memory_space<semaphore_mem>>)
    }
    %scan3A_20 = arith.constant 66 : i32
    %dma_wait3A = arith.constant 0 : i32
    %dma_wait3A_21 = arith.constant 0 : i32
    %dma_wait3A_22 = arith.constant 0 : i32
    %dma_wait3A_23 = tpu.memref_slice %arg4[%dma_wait3A, %dma_wait3A_21, %dma_wait3A_22] : memref<200x64x4096xf32, #tpu.memory_space<hbm>> -> memref<1x1x4096xf32, #tpu.memory_space<hbm>>
    %dma_wait3A_24 = tpu.memref_squeeze %dma_wait3A_23 : memref<1x1x4096xf32, #tpu.memory_space<hbm>> -> memref<4096xf32, #tpu.memory_space<hbm>>
    %dma_wait3A_25 = arith.constant 0 : i32
    %dma_wait3A_26 = tpu.memref_slice %arg4[%dma_wait3A, %dma_wait3A_21, %dma_wait3A_25] : memref<200x64x4096xf32, #tpu.memory_space<hbm>> -> memref<1x1x4096xf32, #tpu.memory_space<hbm>>
    %dma_wait3A_27 = tpu.memref_squeeze %dma_wait3A_26 : memref<1x1x4096xf32, #tpu.memory_space<hbm>> -> memref<4096xf32, #tpu.memory_space<hbm>>
    tpu.wait_dma2 semaphore(%arg15 : memref<!tpu.dma_semaphore, #tpu.memory_space<semaphore_mem>>) src(%arg9 : memref<4096xf32, #tpu.memory_space<vmem>>) dst(%dma_wait3A_27 : memref<4096xf32, #tpu.memory_space<hbm>>)
    %dma_wait3A_28 = arith.constant 0 : i32
    %dma_wait3A_29 = arith.constant 0 : i32
    %dma_wait3A_30 = tpu.memref_slice %arg2[%dma_wait3A_28, %dma_wait3A_29] : memref<200x4096xi32, #tpu.memory_space<hbm>> -> memref<1x4096xi32, #tpu.memory_space<hbm>>
    %dma_wait3A_31 = tpu.memref_squeeze %dma_wait3A_30 : memref<1x4096xi32, #tpu.memory_space<hbm>> -> memref<4096xi32, #tpu.memory_space<hbm>>
    %dma_wait3A_32 = arith.constant 0 : i32
    %dma_wait3A_33 = tpu.memref_slice %arg2[%dma_wait3A_28, %dma_wait3A_32] : memref<200x4096xi32, #tpu.memory_space<hbm>> -> memref<1x4096xi32, #tpu.memory_space<hbm>>
    %dma_wait3A_34 = tpu.memref_squeeze %dma_wait3A_33 : memref<1x4096xi32, #tpu.memory_space<hbm>> -> memref<4096xi32, #tpu.memory_space<hbm>>
    tpu.wait_dma2 semaphore(%arg12 : memref<!tpu.dma_semaphore, #tpu.memory_space<semaphore_mem>>) src(%dma_wait3A_34 : memref<4096xi32, #tpu.memory_space<hbm>>) dst(%arg6 : memref<4096xi32, #tpu.memory_space<vmem>>)
    %barrier3A = arith.constant 0 : index
    tpu.barrier barrier_id(%barrier3A)
    %parallel_loop3A = arith.constant 0 : i32
    %parallel_loop3A_35 = arith.constant 256 : i32
    %parallel_loop3A_36 = arith.constant 1 : i32
    scf.for %parallel_loop3A_196 = %parallel_loop3A to %parallel_loop3A_35 step %parallel_loop3A_36  : i32 {
      %parallel_loop3A_197 = arith.constant 16 : i32
      %parallel_loop3A_198 = arith.muli %parallel_loop3A_196, %parallel_loop3A_197 : i32
      %parallel_loop3A_199 = tpu.assume_multiple %parallel_loop3A_198, 16 : i32
      %parallel_loop3A_200 = arith.index_cast %parallel_loop3A_199 : i32 to index
      %parallel_loop3A_201 = tpu.vector_load %arg6[%parallel_loop3A_200] {strides = array<i32>} : memref<4096xi32, #tpu.memory_space<vmem>>, vector<16xi32>,
      %parallel_loop3A_202 = tpu.vector_load_idx %arg5[%parallel_loop3A_201] : memref<100000xf32, #tpu.memory_space<vmem>>[vector<16xi32>], vector<16xf32>,
      %parallel_loop3A_203 = arith.index_cast %parallel_loop3A_199 : i32 to index
      %parallel_loop3A_204 = tpu.vector_load %arg9[%parallel_loop3A_203] {strides = array<i32>} : memref<4096xf32, #tpu.memory_space<vmem>>, vector<16xf32>,
      tpu.vector_store %arg9[%parallel_loop3A_203], %parallel_loop3A_202 {strides = array<i32>} : memref<4096xf32, #tpu.memory_space<vmem>>, vector<16xf32>,
    } {sc.loop_unroll_factor = 16 : i64, sc.parallel_access}
    %barrier3A_37 = arith.constant 0 : index
    tpu.barrier barrier_id(%barrier3A_37)
    %dma_start3A_38 = arith.constant 198 : i32
    %dma_start3A_39 = arith.constant 0 : i32
    %dma_start3A_40 = tpu.memref_slice %arg4[%dma_start3A_38, %add3A_2, %dma_start3A_39] : memref<200x64x4096xf32, #tpu.memory_space<hbm>> -> memref<1x1x4096xf32, #tpu.memory_space<hbm>>
    %dma_start3A_41 = tpu.memref_squeeze %dma_start3A_40 : memref<1x1x4096xf32, #tpu.memory_space<hbm>> -> memref<4096xf32, #tpu.memory_space<hbm>>
    %dma_start3A_42 = arith.constant 0 : i32
    %dma_start3A_43 = tpu.memref_slice %arg4[%dma_start3A_38, %add3A_2, %dma_start3A_42] : memref<200x64x4096xf32, #tpu.memory_space<hbm>> -> memref<1x1x4096xf32, #tpu.memory_space<hbm>>
    %dma_start3A_44 = tpu.memref_squeeze %dma_start3A_43 : memref<1x1x4096xf32, #tpu.memory_space<hbm>> -> memref<4096xf32, #tpu.memory_space<hbm>>
    tpu.enqueue_dma source(%arg9 : memref<4096xf32, #tpu.memory_space<vmem>>) target(%dma_start3A_44 : memref<4096xf32, #tpu.memory_space<hbm>>) target_semaphore(%arg15 : memref<!tpu.dma_semaphore, #tpu.memory_space<semaphore_mem>>)
    %dma_wait3A_45 = arith.constant 0 : i32
    %dma_wait3A_46 = arith.constant 0 : i32
    %dma_wait3A_47 = arith.constant 0 : i32
    %dma_wait3A_48 = tpu.memref_slice %arg4[%dma_wait3A_45, %dma_wait3A_46, %dma_wait3A_47] : memref<200x64x4096xf32, #tpu.memory_space<hbm>> -> memref<1x1x4096xf32, #tpu.memory_space<hbm>>
    %dma_wait3A_49 = tpu.memref_squeeze %dma_wait3A_48 : memref<1x1x4096xf32, #tpu.memory_space<hbm>> -> memref<4096xf32, #tpu.memory_space<hbm>>
    %dma_wait3A_50 = arith.constant 0 : i32
    %dma_wait3A_51 = tpu.memref_slice %arg4[%dma_wait3A_45, %dma_wait3A_46, %dma_wait3A_50] : memref<200x64x4096xf32, #tpu.memory_space<hbm>> -> memref<1x1x4096xf32, #tpu.memory_space<hbm>>
    %dma_wait3A_52 = tpu.memref_squeeze %dma_wait3A_51 : memref<1x1x4096xf32, #tpu.memory_space<hbm>> -> memref<4096xf32, #tpu.memory_space<hbm>>
    tpu.wait_dma2 semaphore(%arg16 : memref<!tpu.dma_semaphore, #tpu.memory_space<semaphore_mem>>) src(%arg10 : memref<4096xf32, #tpu.memory_space<vmem>>) dst(%dma_wait3A_52 : memref<4096xf32, #tpu.memory_space<hbm>>)
    %dma_wait3A_53 = arith.constant 0 : i32
    %dma_wait3A_54 = arith.constant 0 : i32
    %dma_wait3A_55 = tpu.memref_slice %arg2[%dma_wait3A_53, %dma_wait3A_54] : memref<200x4096xi32, #tpu.memory_space<hbm>> -> memref<1x4096xi32, #tpu.memory_space<hbm>>
    %dma_wait3A_56 = tpu.memref_squeeze %dma_wait3A_55 : memref<1x4096xi32, #tpu.memory_space<hbm>> -> memref<4096xi32, #tpu.memory_space<hbm>>
    %dma_wait3A_57 = arith.constant 0 : i32
    %dma_wait3A_58 = tpu.memref_slice %arg2[%dma_wait3A_53, %dma_wait3A_57] : memref<200x4096xi32, #tpu.memory_space<hbm>> -> memref<1x4096xi32, #tpu.memory_space<hbm>>
    %dma_wait3A_59 = tpu.memref_squeeze %dma_wait3A_58 : memref<1x4096xi32, #tpu.memory_space<hbm>> -> memref<4096xi32, #tpu.memory_space<hbm>>
    tpu.wait_dma2 semaphore(%arg13 : memref<!tpu.dma_semaphore, #tpu.memory_space<semaphore_mem>>) src(%dma_wait3A_59 : memref<4096xi32, #tpu.memory_space<hbm>>) dst(%arg7 : memref<4096xi32, #tpu.memory_space<vmem>>)
    %barrier3A_60 = arith.constant 0 : index
    tpu.barrier barrier_id(%barrier3A_60)
    %parallel_loop3A_61 = arith.constant 0 : i32
    %parallel_loop3A_62 = arith.constant 256 : i32
    %parallel_loop3A_63 = arith.constant 1 : i32
    scf.for %parallel_loop3A_196 = %parallel_loop3A_61 to %parallel_loop3A_62 step %parallel_loop3A_63  : i32 {
      %parallel_loop3A_197 = arith.constant 16 : i32
      %parallel_loop3A_198 = arith.muli %parallel_loop3A_196, %parallel_loop3A_197 : i32
      %parallel_loop3A_199 = tpu.assume_multiple %parallel_loop3A_198, 16 : i32
      %parallel_loop3A_200 = arith.index_cast %parallel_loop3A_199 : i32 to index
      %parallel_loop3A_201 = tpu.vector_load %arg7[%parallel_loop3A_200] {strides = array<i32>} : memref<4096xi32, #tpu.memory_space<vmem>>, vector<16xi32>,
      %parallel_loop3A_202 = tpu.vector_load_idx %arg5[%parallel_loop3A_201] : memref<100000xf32, #tpu.memory_space<vmem>>[vector<16xi32>], vector<16xf32>,
      %parallel_loop3A_203 = arith.index_cast %parallel_loop3A_199 : i32 to index
      %parallel_loop3A_204 = tpu.vector_load %arg10[%parallel_loop3A_203] {strides = array<i32>} : memref<4096xf32, #tpu.memory_space<vmem>>, vector<16xf32>,
      tpu.vector_store %arg10[%parallel_loop3A_203], %parallel_loop3A_202 {strides = array<i32>} : memref<4096xf32, #tpu.memory_space<vmem>>, vector<16xf32>,
    } {sc.loop_unroll_factor = 16 : i64, sc.parallel_access}
    %barrier3A_64 = arith.constant 0 : index
    tpu.barrier barrier_id(%barrier3A_64)
    %dma_start3A_65 = arith.constant 199 : i32
    %dma_start3A_66 = arith.constant 0 : i32
    %dma_start3A_67 = tpu.memref_slice %arg4[%dma_start3A_65, %add3A_2, %dma_start3A_66] : memref<200x64x4096xf32, #tpu.memory_space<hbm>> -> memref<1x1x4096xf32, #tpu.memory_space<hbm>>
    %dma_start3A_68 = tpu.memref_squeeze %dma_start3A_67 : memref<1x1x4096xf32, #tpu.memory_space<hbm>> -> memref<4096xf32, #tpu.memory_space<hbm>>
    %dma_start3A_69 = arith.constant 0 : i32
    %dma_start3A_70 = tpu.memref_slice %arg4[%dma_start3A_65, %add3A_2, %dma_start3A_69] : memref<200x64x4096xf32, #tpu.memory_space<hbm>> -> memref<1x1x4096xf32, #tpu.memory_space<hbm>>
    %dma_start3A_71 = tpu.memref_squeeze %dma_start3A_70 : memref<1x1x4096xf32, #tpu.memory_space<hbm>> -> memref<4096xf32, #tpu.memory_space<hbm>>
    tpu.enqueue_dma source(%arg10 : memref<4096xf32, #tpu.memory_space<vmem>>) target(%dma_start3A_71 : memref<4096xf32, #tpu.memory_space<hbm>>) target_semaphore(%arg16 : memref<!tpu.dma_semaphore, #tpu.memory_space<semaphore_mem>>)
    %dma_wait3A_72 = arith.constant 0 : i32
    %dma_wait3A_73 = arith.constant 0 : i32
    %dma_wait3A_74 = arith.constant 0 : i32
    %dma_wait3A_75 = tpu.memref_slice %arg4[%dma_wait3A_72, %dma_wait3A_73, %dma_wait3A_74] : memref<200x64x4096xf32, #tpu.memory_space<hbm>> -> memref<1x1x4096xf32, #tpu.memory_space<hbm>>
    %dma_wait3A_76 = tpu.memref_squeeze %dma_wait3A_75 : memref<1x1x4096xf32, #tpu.memory_space<hbm>> -> memref<4096xf32, #tpu.memory_space<hbm>>
    %dma_wait3A_77 = arith.constant 0 : i32
    %dma_wait3A_78 = tpu.memref_slice %arg4[%dma_wait3A_72, %dma_wait3A_73, %dma_wait3A_77] : memref<200x64x4096xf32, #tpu.memory_space<hbm>> -> memref<1x1x4096xf32, #tpu.memory_space<hbm>>
    %dma_wait3A_79 = tpu.memref_squeeze %dma_wait3A_78 : memref<1x1x4096xf32, #tpu.memory_space<hbm>> -> memref<4096xf32, #tpu.memory_space<hbm>>
    tpu.wait_dma2 semaphore(%arg17 : memref<!tpu.dma_semaphore, #tpu.memory_space<semaphore_mem>>) src(%arg11 : memref<4096xf32, #tpu.memory_space<vmem>>) dst(%dma_wait3A_79 : memref<4096xf32, #tpu.memory_space<hbm>>)
    %dma_wait3A_80 = arith.constant 0 : i32
    %dma_wait3A_81 = arith.constant 0 : i32
    %dma_wait3A_82 = arith.constant 0 : i32
    %dma_wait3A_83 = tpu.memref_slice %arg4[%dma_wait3A_80, %dma_wait3A_81, %dma_wait3A_82] : memref<200x64x4096xf32, #tpu.memory_space<hbm>> -> memref<1x1x4096xf32, #tpu.memory_space<hbm>>
    %dma_wait3A_84 = tpu.memref_squeeze %dma_wait3A_83 : memref<1x1x4096xf32, #tpu.memory_space<hbm>> -> memref<4096xf32, #tpu.memory_space<hbm>>
    %dma_wait3A_85 = arith.constant 0 : i32
    %dma_wait3A_86 = tpu.memref_slice %arg4[%dma_wait3A_80, %dma_wait3A_81, %dma_wait3A_85] : memref<200x64x4096xf32, #tpu.memory_space<hbm>> -> memref<1x1x4096xf32, #tpu.memory_space<hbm>>
    %dma_wait3A_87 = tpu.memref_squeeze %dma_wait3A_86 : memref<1x1x4096xf32, #tpu.memory_space<hbm>> -> memref<4096xf32, #tpu.memory_space<hbm>>
    tpu.wait_dma2 semaphore(%arg15 : memref<!tpu.dma_semaphore, #tpu.memory_space<semaphore_mem>>) src(%arg9 : memref<4096xf32, #tpu.memory_space<vmem>>) dst(%dma_wait3A_87 : memref<4096xf32, #tpu.memory_space<hbm>>)
    %dma_wait3A_88 = arith.constant 0 : i32
    %dma_wait3A_89 = arith.constant 0 : i32
    %dma_wait3A_90 = arith.constant 0 : i32
    %dma_wait3A_91 = tpu.memref_slice %arg4[%dma_wait3A_88, %dma_wait3A_89, %dma_wait3A_90] : memref<200x64x4096xf32, #tpu.memory_space<hbm>> -> memref<1x1x4096xf32, #tpu.memory_space<hbm>>
    %dma_wait3A_92 = tpu.memref_squeeze %dma_wait3A_91 : memref<1x1x4096xf32, #tpu.memory_space<hbm>> -> memref<4096xf32, #tpu.memory_space<hbm>>
    %dma_wait3A_93 = arith.constant 0 : i32
    %dma_wait3A_94 = tpu.memref_slice %arg4[%dma_wait3A_88, %dma_wait3A_89, %dma_wait3A_93] : memref<200x64x4096xf32, #tpu.memory_space<hbm>> -> memref<1x1x4096xf32, #tpu.memory_space<hbm>>
    %dma_wait3A_95 = tpu.memref_squeeze %dma_wait3A_94 : memref<1x1x4096xf32, #tpu.memory_space<hbm>> -> memref<4096xf32, #tpu.memory_space<hbm>>
    tpu.wait_dma2 semaphore(%arg16 : memref<!tpu.dma_semaphore, #tpu.memory_space<semaphore_mem>>) src(%arg10 : memref<4096xf32, #tpu.memory_space<vmem>>) dst(%dma_wait3A_95 : memref<4096xf32, #tpu.memory_space<hbm>>)
    %add3A_96 = arith.constant 32 : i32
    %add3A_97 = arith.addi %add3A, %add3A_96 : i32
    "tpu.region"() ({
      %run_scoped3A = tpu.sem_alloc : memref<!tpu.dma_semaphore, #tpu.memory_space<semaphore_mem>>
      %dma_start3A_196 = arith.constant 0 : i32
      %dma_start3A_197 = tpu.memref_slice %arg3[%add3A_97, %dma_start3A_196] : memref<64x100000xf32, #tpu.memory_space<hbm>> -> memref<1x100000xf32, #tpu.memory_space<hbm>>
      %dma_start3A_198 = tpu.memref_squeeze %dma_start3A_197 : memref<1x100000xf32, #tpu.memory_space<hbm>> -> memref<100000xf32, #tpu.memory_space<hbm>>
      %dma_start3A_199 = arith.constant 0 : i32
      %dma_start3A_200 = tpu.memref_slice %arg3[%add3A_97, %dma_start3A_199] : memref<64x100000xf32, #tpu.memory_space<hbm>> -> memref<1x100000xf32, #tpu.memory_space<hbm>>
      %dma_start3A_201 = tpu.memref_squeeze %dma_start3A_200 : memref<1x100000xf32, #tpu.memory_space<hbm>> -> memref<100000xf32, #tpu.memory_space<hbm>>
      tpu.enqueue_dma source(%dma_start3A_201 : memref<100000xf32, #tpu.memory_space<hbm>>) target(%arg5 : memref<100000xf32, #tpu.memory_space<vmem>>) target_semaphore(%run_scoped3A : memref<!tpu.dma_semaphore, #tpu.memory_space<semaphore_mem>>)
      %dma_wait3A_202 = arith.constant 0 : i32
      %dma_wait3A_203 = tpu.memref_slice %arg3[%add3A_97, %dma_wait3A_202] : memref<64x100000xf32, #tpu.memory_space<hbm>> -> memref<1x100000xf32, #tpu.memory_space<hbm>>
      %dma_wait3A_204 = tpu.memref_squeeze %dma_wait3A_203 : memref<1x100000xf32, #tpu.memory_space<hbm>> -> memref<100000xf32, #tpu.memory_space<hbm>>
      %dma_wait3A_205 = arith.constant 0 : i32
      %dma_wait3A_206 = tpu.memref_slice %arg3[%add3A_97, %dma_wait3A_205] : memref<64x100000xf32, #tpu.memory_space<hbm>> -> memref<1x100000xf32, #tpu.memory_space<hbm>>
      %dma_wait3A_207 = tpu.memref_squeeze %dma_wait3A_206 : memref<1x100000xf32, #tpu.memory_space<hbm>> -> memref<100000xf32, #tpu.memory_space<hbm>>
      tpu.wait_dma2 semaphore(%run_scoped3A : memref<!tpu.dma_semaphore, #tpu.memory_space<semaphore_mem>>) src(%dma_wait3A_207 : memref<100000xf32, #tpu.memory_space<hbm>>) dst(%arg5 : memref<100000xf32, #tpu.memory_space<vmem>>)
      tpu.yield
    }) : () -> ()
    %dma_start3A_98 = arith.constant 0 : i32
    %dma_start3A_99 = arith.constant 0 : i32
    %dma_start3A_100 = tpu.memref_slice %arg2[%dma_start3A_98, %dma_start3A_99] : memref<200x4096xi32, #tpu.memory_space<hbm>> -> memref<1x4096xi32, #tpu.memory_space<hbm>>
    %dma_start3A_101 = tpu.memref_squeeze %dma_start3A_100 : memref<1x4096xi32, #tpu.memory_space<hbm>> -> memref<4096xi32, #tpu.memory_space<hbm>>
    %dma_start3A_102 = arith.constant 0 : i32
    %dma_start3A_103 = tpu.memref_slice %arg2[%dma_start3A_98, %dma_start3A_102] : memref<200x4096xi32, #tpu.memory_space<hbm>> -> memref<1x4096xi32, #tpu.memory_space<hbm>>
    %dma_start3A_104 = tpu.memref_squeeze %dma_start3A_103 : memref<1x4096xi32, #tpu.memory_space<hbm>> -> memref<4096xi32, #tpu.memory_space<hbm>>
    tpu.enqueue_dma source(%dma_start3A_104 : memref<4096xi32, #tpu.memory_space<hbm>>) target(%arg6 : memref<4096xi32, #tpu.memory_space<vmem>>) target_semaphore(%arg12 : memref<!tpu.dma_semaphore, #tpu.memory_space<semaphore_mem>>)
    %dma_start3A_105 = arith.constant 1 : i32
    %dma_start3A_106 = arith.constant 0 : i32
    %dma_start3A_107 = tpu.memref_slice %arg2[%dma_start3A_105, %dma_start3A_106] : memref<200x4096xi32, #tpu.memory_space<hbm>> -> memref<1x4096xi32, #tpu.memory_space<hbm>>
    %dma_start3A_108 = tpu.memref_squeeze %dma_start3A_107 : memref<1x4096xi32, #tpu.memory_space<hbm>> -> memref<4096xi32, #tpu.memory_space<hbm>>
    %dma_start3A_109 = arith.constant 0 : i32
    %dma_start3A_110 = tpu.memref_slice %arg2[%dma_start3A_105, %dma_start3A_109] : memref<200x4096xi32, #tpu.memory_space<hbm>> -> memref<1x4096xi32, #tpu.memory_space<hbm>>
    %dma_start3A_111 = tpu.memref_squeeze %dma_start3A_110 : memref<1x4096xi32, #tpu.memory_space<hbm>> -> memref<4096xi32, #tpu.memory_space<hbm>>
    tpu.enqueue_dma source(%dma_start3A_111 : memref<4096xi32, #tpu.memory_space<hbm>>) target(%arg7 : memref<4096xi32, #tpu.memory_space<vmem>>) target_semaphore(%arg13 : memref<!tpu.dma_semaphore, #tpu.memory_space<semaphore_mem>>)
    %scan3A_112 = arith.constant 0 : i32
    %scan3A_113 = arith.constant 0 : i32
    %scan3A_114 = arith.constant 66 : i32
    %scan3A_115 = arith.addi %scan3A_113, %scan3A_114 : i32
    %scan3A_116 = arith.constant 1 : i32
    scf.for %scan3A_196 = %scan3A_113 to %scan3A_115 step %scan3A_116  : i32 {
      %mul3A_197 = arith.constant 3 : i32
      %mul3A_198 = arith.muli %scan3A_196, %mul3A_197 : i32
      %add3A_199 = arith.constant 0 : i32
      %add3A_200 = arith.addi %mul3A_198, %add3A_199 : i32
      %add3A_201 = arith.constant 2 : i32
      %add3A_202 = arith.addi %add3A_200, %add3A_201 : i32
      %dma_start3A_203 = arith.constant 0 : i32
      %dma_start3A_204 = tpu.memref_slice %arg2[%add3A_202, %dma_start3A_203] : memref<200x4096xi32, #tpu.memory_space<hbm>> -> memref<1x4096xi32, #tpu.memory_space<hbm>>
      %dma_start3A_205 = tpu.memref_squeeze %dma_start3A_204 : memref<1x4096xi32, #tpu.memory_space<hbm>> -> memref<4096xi32, #tpu.memory_space<hbm>>
      %dma_start3A_206 = arith.constant 0 : i32
      %dma_start3A_207 = tpu.memref_slice %arg2[%add3A_202, %dma_start3A_206] : memref<200x4096xi32, #tpu.memory_space<hbm>> -> memref<1x4096xi32, #tpu.memory_space<hbm>>
      %dma_start3A_208 = tpu.memref_squeeze %dma_start3A_207 : memref<1x4096xi32, #tpu.memory_space<hbm>> -> memref<4096xi32, #tpu.memory_space<hbm>>
      tpu.enqueue_dma source(%dma_start3A_208 : memref<4096xi32, #tpu.memory_space<hbm>>) target(%arg8 : memref<4096xi32, #tpu.memory_space<vmem>>) target_semaphore(%arg14 : memref<!tpu.dma_semaphore, #tpu.memory_space<semaphore_mem>>)
      %ge3A = arith.constant 1 : i32
      %ge3A_209 = arith.cmpi sge, %scan3A_196, %ge3A : i32
      %convert_element_type3A = arith.extui %ge3A_209 : i1 to i32
      %cond3A = arith.constant 0 : i32
      %cond3A_210 = arith.cmpi ne, %convert_element_type3A, %cond3A : i32
      scf.if %cond3A_210 {
        %dma_wait3A_299 = arith.constant 0 : i32
        %dma_wait3A_300 = arith.constant 0 : i32
        %dma_wait3A_301 = arith.constant 0 : i32
        %dma_wait3A_302 = tpu.memref_slice %arg4[%dma_wait3A_299, %dma_wait3A_300, %dma_wait3A_301] : memref<200x64x4096xf32, #tpu.memory_space<hbm>> -> memref<1x1x4096xf32, #tpu.memory_space<hbm>>
        %dma_wait3A_303 = tpu.memref_squeeze %dma_wait3A_302 : memref<1x1x4096xf32, #tpu.memory_space<hbm>> -> memref<4096xf32, #tpu.memory_space<hbm>>
        %dma_wait3A_304 = arith.constant 0 : i32
        %dma_wait3A_305 = tpu.memref_slice %arg4[%dma_wait3A_299, %dma_wait3A_300, %dma_wait3A_304] : memref<200x64x4096xf32, #tpu.memory_space<hbm>> -> memref<1x1x4096xf32, #tpu.memory_space<hbm>>
        %dma_wait3A_306 = tpu.memref_squeeze %dma_wait3A_305 : memref<1x1x4096xf32, #tpu.memory_space<hbm>> -> memref<4096xf32, #tpu.memory_space<hbm>>
        tpu.wait_dma2 semaphore(%arg15 : memref<!tpu.dma_semaphore, #tpu.memory_space<semaphore_mem>>) src(%arg9 : memref<4096xf32, #tpu.memory_space<vmem>>) dst(%dma_wait3A_306 : memref<4096xf32, #tpu.memory_space<hbm>>)
      } else {
      }
      %dma_wait3A_211 = arith.constant 0 : i32
      %dma_wait3A_212 = arith.constant 0 : i32
      %dma_wait3A_213 = tpu.memref_slice %arg2[%dma_wait3A_211, %dma_wait3A_212] : memref<200x4096xi32, #tpu.memory_space<hbm>> -> memref<1x4096xi32, #tpu.memory_space<hbm>>
      %dma_wait3A_214 = tpu.memref_squeeze %dma_wait3A_213 : memref<1x4096xi32, #tpu.memory_space<hbm>> -> memref<4096xi32, #tpu.memory_space<hbm>>
      %dma_wait3A_215 = arith.constant 0 : i32
      %dma_wait3A_216 = tpu.memref_slice %arg2[%dma_wait3A_211, %dma_wait3A_215] : memref<200x4096xi32, #tpu.memory_space<hbm>> -> memref<1x4096xi32, #tpu.memory_space<hbm>>
      %dma_wait3A_217 = tpu.memref_squeeze %dma_wait3A_216 : memref<1x4096xi32, #tpu.memory_space<hbm>> -> memref<4096xi32, #tpu.memory_space<hbm>>
      tpu.wait_dma2 semaphore(%arg12 : memref<!tpu.dma_semaphore, #tpu.memory_space<semaphore_mem>>) src(%dma_wait3A_217 : memref<4096xi32, #tpu.memory_space<hbm>>) dst(%arg6 : memref<4096xi32, #tpu.memory_space<vmem>>)
      %barrier3A_218 = arith.constant 0 : index
      tpu.barrier barrier_id(%barrier3A_218)
      %parallel_loop3A_219 = arith.constant 0 : i32
      %parallel_loop3A_220 = arith.constant 256 : i32
      %parallel_loop3A_221 = arith.constant 1 : i32
      scf.for %parallel_loop3A_299 = %parallel_loop3A_219 to %parallel_loop3A_220 step %parallel_loop3A_221  : i32 {
        %parallel_loop3A_300 = arith.constant 16 : i32
        %parallel_loop3A_301 = arith.muli %parallel_loop3A_299, %parallel_loop3A_300 : i32
        %parallel_loop3A_302 = tpu.assume_multiple %parallel_loop3A_301, 16 : i32
        %parallel_loop3A_303 = arith.index_cast %parallel_loop3A_302 : i32 to index
        %parallel_loop3A_304 = tpu.vector_load %arg6[%parallel_loop3A_303] {strides = array<i32>} : memref<4096xi32, #tpu.memory_space<vmem>>, vector<16xi32>,
        %parallel_loop3A_305 = tpu.vector_load_idx %arg5[%parallel_loop3A_304] : memref<100000xf32, #tpu.memory_space<vmem>>[vector<16xi32>], vector<16xf32>,
        %parallel_loop3A_306 = arith.index_cast %parallel_loop3A_302 : i32 to index
        %parallel_loop3A_307 = tpu.vector_load %arg9[%parallel_loop3A_306] {strides = array<i32>} : memref<4096xf32, #tpu.memory_space<vmem>>, vector<16xf32>,
        tpu.vector_store %arg9[%parallel_loop3A_306], %parallel_loop3A_305 {strides = array<i32>} : memref<4096xf32, #tpu.memory_space<vmem>>, vector<16xf32>,
      } {sc.loop_unroll_factor = 16 : i64, sc.parallel_access}
      %barrier3A_222 = arith.constant 0 : index
      tpu.barrier barrier_id(%barrier3A_222)
      %dma_start3A_223 = arith.constant 0 : i32
      %dma_start3A_224 = tpu.memref_slice %arg4[%add3A_200, %add3A_97, %dma_start3A_223] : memref<200x64x4096xf32, #tpu.memory_space<hbm>> -> memref<1x1x4096xf32, #tpu.memory_space<hbm>>
      %dma_start3A_225 = tpu.memref_squeeze %dma_start3A_224 : memref<1x1x4096xf32, #tpu.memory_space<hbm>> -> memref<4096xf32, #tpu.memory_space<hbm>>
      %dma_start3A_226 = arith.constant 0 : i32
      %dma_start3A_227 = tpu.memref_slice %arg4[%add3A_200, %add3A_97, %dma_start3A_226] : memref<200x64x4096xf32, #tpu.memory_space<hbm>> -> memref<1x1x4096xf32, #tpu.memory_space<hbm>>
      %dma_start3A_228 = tpu.memref_squeeze %dma_start3A_227 : memref<1x1x4096xf32, #tpu.memory_space<hbm>> -> memref<4096xf32, #tpu.memory_space<hbm>>
      tpu.enqueue_dma source(%arg9 : memref<4096xf32, #tpu.memory_space<vmem>>) target(%dma_start3A_228 : memref<4096xf32, #tpu.memory_space<hbm>>) target_semaphore(%arg15 : memref<!tpu.dma_semaphore, #tpu.memory_space<semaphore_mem>>)
      %mul3A_229 = arith.constant 3 : i32
      %mul3A_230 = arith.muli %scan3A_196, %mul3A_229 : i32
      %add3A_231 = arith.constant 1 : i32
      %add3A_232 = arith.addi %mul3A_230, %add3A_231 : i32
      %add3A_233 = arith.constant 2 : i32
      %add3A_234 = arith.addi %add3A_232, %add3A_233 : i32
      %dma_start3A_235 = arith.constant 0 : i32
      %dma_start3A_236 = tpu.memref_slice %arg2[%add3A_234, %dma_start3A_235] : memref<200x4096xi32, #tpu.memory_space<hbm>> -> memref<1x4096xi32, #tpu.memory_space<hbm>>
      %dma_start3A_237 = tpu.memref_squeeze %dma_start3A_236 : memref<1x4096xi32, #tpu.memory_space<hbm>> -> memref<4096xi32, #tpu.memory_space<hbm>>
      %dma_start3A_238 = arith.constant 0 : i32
      %dma_start3A_239 = tpu.memref_slice %arg2[%add3A_234, %dma_start3A_238] : memref<200x4096xi32, #tpu.memory_space<hbm>> -> memref<1x4096xi32, #tpu.memory_space<hbm>>
      %dma_start3A_240 = tpu.memref_squeeze %dma_start3A_239 : memref<1x4096xi32, #tpu.memory_space<hbm>> -> memref<4096xi32, #tpu.memory_space<hbm>>
      tpu.enqueue_dma source(%dma_start3A_240 : memref<4096xi32, #tpu.memory_space<hbm>>) target(%arg6 : memref<4096xi32, #tpu.memory_space<vmem>>) target_semaphore(%arg12 : memref<!tpu.dma_semaphore, #tpu.memory_space<semaphore_mem>>)
      %ge3A_241 = arith.constant 1 : i32
      %ge3A_242 = arith.cmpi sge, %scan3A_196, %ge3A_241 : i32
      %convert_element_type3A_243 = arith.extui %ge3A_242 : i1 to i32
      %cond3A_244 = arith.constant 0 : i32
      %cond3A_245 = arith.cmpi ne, %convert_element_type3A_243, %cond3A_244 : i32
      scf.if %cond3A_245 {
        %dma_wait3A_299 = arith.constant 0 : i32
        %dma_wait3A_300 = arith.constant 0 : i32
        %dma_wait3A_301 = arith.constant 0 : i32
        %dma_wait3A_302 = tpu.memref_slice %arg4[%dma_wait3A_299, %dma_wait3A_300, %dma_wait3A_301] : memref<200x64x4096xf32, #tpu.memory_space<hbm>> -> memref<1x1x4096xf32, #tpu.memory_space<hbm>>
        %dma_wait3A_303 = tpu.memref_squeeze %dma_wait3A_302 : memref<1x1x4096xf32, #tpu.memory_space<hbm>> -> memref<4096xf32, #tpu.memory_space<hbm>>
        %dma_wait3A_304 = arith.constant 0 : i32
        %dma_wait3A_305 = tpu.memref_slice %arg4[%dma_wait3A_299, %dma_wait3A_300, %dma_wait3A_304] : memref<200x64x4096xf32, #tpu.memory_space<hbm>> -> memref<1x1x4096xf32, #tpu.memory_space<hbm>>
        %dma_wait3A_306 = tpu.memref_squeeze %dma_wait3A_305 : memref<1x1x4096xf32, #tpu.memory_space<hbm>> -> memref<4096xf32, #tpu.memory_space<hbm>>
        tpu.wait_dma2 semaphore(%arg16 : memref<!tpu.dma_semaphore, #tpu.memory_space<semaphore_mem>>) src(%arg10 : memref<4096xf32, #tpu.memory_space<vmem>>) dst(%dma_wait3A_306 : memref<4096xf32, #tpu.memory_space<hbm>>)
      } else {
      }
      %dma_wait3A_246 = arith.constant 0 : i32
      %dma_wait3A_247 = arith.constant 0 : i32
      %dma_wait3A_248 = tpu.memref_slice %arg2[%dma_wait3A_246, %dma_wait3A_247] : memref<200x4096xi32, #tpu.memory_space<hbm>> -> memref<1x4096xi32, #tpu.memory_space<hbm>>
      %dma_wait3A_249 = tpu.memref_squeeze %dma_wait3A_248 : memref<1x4096xi32, #tpu.memory_space<hbm>> -> memref<4096xi32, #tpu.memory_space<hbm>>
      %dma_wait3A_250 = arith.constant 0 : i32
      %dma_wait3A_251 = tpu.memref_slice %arg2[%dma_wait3A_246, %dma_wait3A_250] : memref<200x4096xi32, #tpu.memory_space<hbm>> -> memref<1x4096xi32, #tpu.memory_space<hbm>>
      %dma_wait3A_252 = tpu.memref_squeeze %dma_wait3A_251 : memref<1x4096xi32, #tpu.memory_space<hbm>> -> memref<4096xi32, #tpu.memory_space<hbm>>
      tpu.wait_dma2 semaphore(%arg13 : memref<!tpu.dma_semaphore, #tpu.memory_space<semaphore_mem>>) src(%dma_wait3A_252 : memref<4096xi32, #tpu.memory_space<hbm>>) dst(%arg7 : memref<4096xi32, #tpu.memory_space<vmem>>)
      %barrier3A_253 = arith.constant 0 : index
      tpu.barrier barrier_id(%barrier3A_253)
      %parallel_loop3A_254 = arith.constant 0 : i32
      %parallel_loop3A_255 = arith.constant 256 : i32
      %parallel_loop3A_256 = arith.constant 1 : i32
      scf.for %parallel_loop3A_299 = %parallel_loop3A_254 to %parallel_loop3A_255 step %parallel_loop3A_256  : i32 {
        %parallel_loop3A_300 = arith.constant 16 : i32
        %parallel_loop3A_301 = arith.muli %parallel_loop3A_299, %parallel_loop3A_300 : i32
        %parallel_loop3A_302 = tpu.assume_multiple %parallel_loop3A_301, 16 : i32
        %parallel_loop3A_303 = arith.index_cast %parallel_loop3A_302 : i32 to index
        %parallel_loop3A_304 = tpu.vector_load %arg7[%parallel_loop3A_303] {strides = array<i32>} : memref<4096xi32, #tpu.memory_space<vmem>>, vector<16xi32>,
        %parallel_loop3A_305 = tpu.vector_load_idx %arg5[%parallel_loop3A_304] : memref<100000xf32, #tpu.memory_space<vmem>>[vector<16xi32>], vector<16xf32>,
        %parallel_loop3A_306 = arith.index_cast %parallel_loop3A_302 : i32 to index
        %parallel_loop3A_307 = tpu.vector_load %arg10[%parallel_loop3A_306] {strides = array<i32>} : memref<4096xf32, #tpu.memory_space<vmem>>, vector<16xf32>,
        tpu.vector_store %arg10[%parallel_loop3A_306], %parallel_loop3A_305 {strides = array<i32>} : memref<4096xf32, #tpu.memory_space<vmem>>, vector<16xf32>,
      } {sc.loop_unroll_factor = 16 : i64, sc.parallel_access}
      %barrier3A_257 = arith.constant 0 : index
      tpu.barrier barrier_id(%barrier3A_257)
      %dma_start3A_258 = arith.constant 0 : i32
      %dma_start3A_259 = tpu.memref_slice %arg4[%add3A_232, %add3A_97, %dma_start3A_258] : memref<200x64x4096xf32, #tpu.memory_space<hbm>> -> memref<1x1x4096xf32, #tpu.memory_space<hbm>>
      %dma_start3A_260 = tpu.memref_squeeze %dma_start3A_259 : memref<1x1x4096xf32, #tpu.memory_space<hbm>> -> memref<4096xf32, #tpu.memory_space<hbm>>
      %dma_start3A_261 = arith.constant 0 : i32
      %dma_start3A_262 = tpu.memref_slice %arg4[%add3A_232, %add3A_97, %dma_start3A_261] : memref<200x64x4096xf32, #tpu.memory_space<hbm>> -> memref<1x1x4096xf32, #tpu.memory_space<hbm>>
      %dma_start3A_263 = tpu.memref_squeeze %dma_start3A_262 : memref<1x1x4096xf32, #tpu.memory_space<hbm>> -> memref<4096xf32, #tpu.memory_space<hbm>>
      tpu.enqueue_dma source(%arg10 : memref<4096xf32, #tpu.memory_space<vmem>>) target(%dma_start3A_263 : memref<4096xf32, #tpu.memory_space<hbm>>) target_semaphore(%arg16 : memref<!tpu.dma_semaphore, #tpu.memory_space<semaphore_mem>>)
      %mul3A_264 = arith.constant 3 : i32
      %mul3A_265 = arith.muli %scan3A_196, %mul3A_264 : i32
      %add3A_266 = arith.constant 2 : i32
      %add3A_267 = arith.addi %mul3A_265, %add3A_266 : i32
      %add3A_268 = arith.constant 2 : i32
      %add3A_269 = arith.addi %add3A_267, %add3A_268 : i32
      %dma_start3A_270 = arith.constant 0 : i32
      %dma_start3A_271 = tpu.memref_slice %arg2[%add3A_269, %dma_start3A_270] : memref<200x4096xi32, #tpu.memory_space<hbm>> -> memref<1x4096xi32, #tpu.memory_space<hbm>>
      %dma_start3A_272 = tpu.memref_squeeze %dma_start3A_271 : memref<1x4096xi32, #tpu.memory_space<hbm>> -> memref<4096xi32, #tpu.memory_space<hbm>>
      %dma_start3A_273 = arith.constant 0 : i32
      %dma_start3A_274 = tpu.memref_slice %arg2[%add3A_269, %dma_start3A_273] : memref<200x4096xi32, #tpu.memory_space<hbm>> -> memref<1x4096xi32, #tpu.memory_space<hbm>>
      %dma_start3A_275 = tpu.memref_squeeze %dma_start3A_274 : memref<1x4096xi32, #tpu.memory_space<hbm>> -> memref<4096xi32, #tpu.memory_space<hbm>>
      tpu.enqueue_dma source(%dma_start3A_275 : memref<4096xi32, #tpu.memory_space<hbm>>) target(%arg7 : memref<4096xi32, #tpu.memory_space<vmem>>) target_semaphore(%arg13 : memref<!tpu.dma_semaphore, #tpu.memory_space<semaphore_mem>>)
      %ge3A_276 = arith.constant 1 : i32
      %ge3A_277 = arith.cmpi sge, %scan3A_196, %ge3A_276 : i32
      %convert_element_type3A_278 = arith.extui %ge3A_277 : i1 to i32
      %cond3A_279 = arith.constant 0 : i32
      %cond3A_280 = arith.cmpi ne, %convert_element_type3A_278, %cond3A_279 : i32
      scf.if %cond3A_280 {
        %dma_wait3A_299 = arith.constant 0 : i32
        %dma_wait3A_300 = arith.constant 0 : i32
        %dma_wait3A_301 = arith.constant 0 : i32
        %dma_wait3A_302 = tpu.memref_slice %arg4[%dma_wait3A_299, %dma_wait3A_300, %dma_wait3A_301] : memref<200x64x4096xf32, #tpu.memory_space<hbm>> -> memref<1x1x4096xf32, #tpu.memory_space<hbm>>
        %dma_wait3A_303 = tpu.memref_squeeze %dma_wait3A_302 : memref<1x1x4096xf32, #tpu.memory_space<hbm>> -> memref<4096xf32, #tpu.memory_space<hbm>>
        %dma_wait3A_304 = arith.constant 0 : i32
        %dma_wait3A_305 = tpu.memref_slice %arg4[%dma_wait3A_299, %dma_wait3A_300, %dma_wait3A_304] : memref<200x64x4096xf32, #tpu.memory_space<hbm>> -> memref<1x1x4096xf32, #tpu.memory_space<hbm>>
        %dma_wait3A_306 = tpu.memref_squeeze %dma_wait3A_305 : memref<1x1x4096xf32, #tpu.memory_space<hbm>> -> memref<4096xf32, #tpu.memory_space<hbm>>
        tpu.wait_dma2 semaphore(%arg17 : memref<!tpu.dma_semaphore, #tpu.memory_space<semaphore_mem>>) src(%arg11 : memref<4096xf32, #tpu.memory_space<vmem>>) dst(%dma_wait3A_306 : memref<4096xf32, #tpu.memory_space<hbm>>)
      } else {
      }
      %dma_wait3A_281 = arith.constant 0 : i32
      %dma_wait3A_282 = arith.constant 0 : i32
      %dma_wait3A_283 = tpu.memref_slice %arg2[%dma_wait3A_281, %dma_wait3A_282] : memref<200x4096xi32, #tpu.memory_space<hbm>> -> memref<1x4096xi32, #tpu.memory_space<hbm>>
      %dma_wait3A_284 = tpu.memref_squeeze %dma_wait3A_283 : memref<1x4096xi32, #tpu.memory_space<hbm>> -> memref<4096xi32, #tpu.memory_space<hbm>>
      %dma_wait3A_285 = arith.constant 0 : i32
      %dma_wait3A_286 = tpu.memref_slice %arg2[%dma_wait3A_281, %dma_wait3A_285] : memref<200x4096xi32, #tpu.memory_space<hbm>> -> memref<1x4096xi32, #tpu.memory_space<hbm>>
      %dma_wait3A_287 = tpu.memref_squeeze %dma_wait3A_286 : memref<1x4096xi32, #tpu.memory_space<hbm>> -> memref<4096xi32, #tpu.memory_space<hbm>>
      tpu.wait_dma2 semaphore(%arg14 : memref<!tpu.dma_semaphore, #tpu.memory_space<semaphore_mem>>) src(%dma_wait3A_287 : memref<4096xi32, #tpu.memory_space<hbm>>) dst(%arg8 : memref<4096xi32, #tpu.memory_space<vmem>>)
      %barrier3A_288 = arith.constant 0 : index
      tpu.barrier barrier_id(%barrier3A_288)
      %parallel_loop3A_289 = arith.constant 0 : i32
      %parallel_loop3A_290 = arith.constant 256 : i32
      %parallel_loop3A_291 = arith.constant 1 : i32
      scf.for %parallel_loop3A_299 = %parallel_loop3A_289 to %parallel_loop3A_290 step %parallel_loop3A_291  : i32 {
        %parallel_loop3A_300 = arith.constant 16 : i32
        %parallel_loop3A_301 = arith.muli %parallel_loop3A_299, %parallel_loop3A_300 : i32
        %parallel_loop3A_302 = tpu.assume_multiple %parallel_loop3A_301, 16 : i32
        %parallel_loop3A_303 = arith.index_cast %parallel_loop3A_302 : i32 to index
        %parallel_loop3A_304 = tpu.vector_load %arg8[%parallel_loop3A_303] {strides = array<i32>} : memref<4096xi32, #tpu.memory_space<vmem>>, vector<16xi32>,
        %parallel_loop3A_305 = tpu.vector_load_idx %arg5[%parallel_loop3A_304] : memref<100000xf32, #tpu.memory_space<vmem>>[vector<16xi32>], vector<16xf32>,
        %parallel_loop3A_306 = arith.index_cast %parallel_loop3A_302 : i32 to index
        %parallel_loop3A_307 = tpu.vector_load %arg11[%parallel_loop3A_306] {strides = array<i32>} : memref<4096xf32, #tpu.memory_space<vmem>>, vector<16xf32>,
        tpu.vector_store %arg11[%parallel_loop3A_306], %parallel_loop3A_305 {strides = array<i32>} : memref<4096xf32, #tpu.memory_space<vmem>>, vector<16xf32>,
      } {sc.loop_unroll_factor = 16 : i64, sc.parallel_access}
      %barrier3A_292 = arith.constant 0 : index
      tpu.barrier barrier_id(%barrier3A_292)
      %dma_start3A_293 = arith.constant 0 : i32
      %dma_start3A_294 = tpu.memref_slice %arg4[%add3A_267, %add3A_97, %dma_start3A_293] : memref<200x64x4096xf32, #tpu.memory_space<hbm>> -> memref<1x1x4096xf32, #tpu.memory_space<hbm>>
      %dma_start3A_295 = tpu.memref_squeeze %dma_start3A_294 : memref<1x1x4096xf32, #tpu.memory_space<hbm>> -> memref<4096xf32, #tpu.memory_space<hbm>>
      %dma_start3A_296 = arith.constant 0 : i32
      %dma_start3A_297 = tpu.memref_slice %arg4[%add3A_267, %add3A_97, %dma_start3A_296] : memref<200x64x4096xf32, #tpu.memory_space<hbm>> -> memref<1x1x4096xf32, #tpu.memory_space<hbm>>
      %dma_start3A_298 = tpu.memref_squeeze %dma_start3A_297 : memref<1x1x4096xf32, #tpu.memory_space<hbm>> -> memref<4096xf32, #tpu.memory_space<hbm>>
      tpu.enqueue_dma source(%arg11 : memref<4096xf32, #tpu.memory_space<vmem>>) target(%dma_start3A_298 : memref<4096xf32, #tpu.memory_space<hbm>>) target_semaphore(%arg17 : memref<!tpu.dma_semaphore, #tpu.memory_space<semaphore_mem>>)
    }
    %scan3A_117 = arith.constant 66 : i32
    %dma_wait3A_118 = arith.constant 0 : i32
    %dma_wait3A_119 = arith.constant 0 : i32
    %dma_wait3A_120 = arith.constant 0 : i32
    %dma_wait3A_121 = tpu.memref_slice %arg4[%dma_wait3A_118, %dma_wait3A_119, %dma_wait3A_120] : memref<200x64x4096xf32, #tpu.memory_space<hbm>> -> memref<1x1x4096xf32, #tpu.memory_space<hbm>>
    %dma_wait3A_122 = tpu.memref_squeeze %dma_wait3A_121 : memref<1x1x4096xf32, #tpu.memory_space<hbm>> -> memref<4096xf32, #tpu.memory_space<hbm>>
    %dma_wait3A_123 = arith.constant 0 : i32
    %dma_wait3A_124 = tpu.memref_slice %arg4[%dma_wait3A_118, %dma_wait3A_119, %dma_wait3A_123] : memref<200x64x4096xf32, #tpu.memory_space<hbm>> -> memref<1x1x4096xf32, #tpu.memory_space<hbm>>
    %dma_wait3A_125 = tpu.memref_squeeze %dma_wait3A_124 : memref<1x1x4096xf32, #tpu.memory_space<hbm>> -> memref<4096xf32, #tpu.memory_space<hbm>>
    tpu.wait_dma2 semaphore(%arg15 : memref<!tpu.dma_semaphore, #tpu.memory_space<semaphore_mem>>) src(%arg9 : memref<4096xf32, #tpu.memory_space<vmem>>) dst(%dma_wait3A_125 : memref<4096xf32, #tpu.memory_space<hbm>>)
    %dma_wait3A_126 = arith.constant 0 : i32
    %dma_wait3A_127 = arith.constant 0 : i32
    %dma_wait3A_128 = tpu.memref_slice %arg2[%dma_wait3A_126, %dma_wait3A_127] : memref<200x4096xi32, #tpu.memory_space<hbm>> -> memref<1x4096xi32, #tpu.memory_space<hbm>>
    %dma_wait3A_129 = tpu.memref_squeeze %dma_wait3A_128 : memref<1x4096xi32, #tpu.memory_space<hbm>> -> memref<4096xi32, #tpu.memory_space<hbm>>
    %dma_wait3A_130 = arith.constant 0 : i32
    %dma_wait3A_131 = tpu.memref_slice %arg2[%dma_wait3A_126, %dma_wait3A_130] : memref<200x4096xi32, #tpu.memory_space<hbm>> -> memref<1x4096xi32, #tpu.memory_space<hbm>>
    %dma_wait3A_132 = tpu.memref_squeeze %dma_wait3A_131 : memref<1x4096xi32, #tpu.memory_space<hbm>> -> memref<4096xi32, #tpu.memory_space<hbm>>
    tpu.wait_dma2 semaphore(%arg12 : memref<!tpu.dma_semaphore, #tpu.memory_space<semaphore_mem>>) src(%dma_wait3A_132 : memref<4096xi32, #tpu.memory_space<hbm>>) dst(%arg6 : memref<4096xi32, #tpu.memory_space<vmem>>)
    %barrier3A_133 = arith.constant 0 : index
    tpu.barrier barrier_id(%barrier3A_133)
    %parallel_loop3A_134 = arith.constant 0 : i32
    %parallel_loop3A_135 = arith.constant 256 : i32
    %parallel_loop3A_136 = arith.constant 1 : i32
    scf.for %parallel_loop3A_196 = %parallel_loop3A_134 to %parallel_loop3A_135 step %parallel_loop3A_136  : i32 {
      %parallel_loop3A_197 = arith.constant 16 : i32
      %parallel_loop3A_198 = arith.muli %parallel_loop3A_196, %parallel_loop3A_197 : i32
      %parallel_loop3A_199 = tpu.assume_multiple %parallel_loop3A_198, 16 : i32
      %parallel_loop3A_200 = arith.index_cast %parallel_loop3A_199 : i32 to index
      %parallel_loop3A_201 = tpu.vector_load %arg6[%parallel_loop3A_200] {strides = array<i32>} : memref<4096xi32, #tpu.memory_space<vmem>>, vector<16xi32>,
      %parallel_loop3A_202 = tpu.vector_load_idx %arg5[%parallel_loop3A_201] : memref<100000xf32, #tpu.memory_space<vmem>>[vector<16xi32>], vector<16xf32>,
      %parallel_loop3A_203 = arith.index_cast %parallel_loop3A_199 : i32 to index
      %parallel_loop3A_204 = tpu.vector_load %arg9[%parallel_loop3A_203] {strides = array<i32>} : memref<4096xf32, #tpu.memory_space<vmem>>, vector<16xf32>,
      tpu.vector_store %arg9[%parallel_loop3A_203], %parallel_loop3A_202 {strides = array<i32>} : memref<4096xf32, #tpu.memory_space<vmem>>, vector<16xf32>,
    } {sc.loop_unroll_factor = 16 : i64, sc.parallel_access}
    %barrier3A_137 = arith.constant 0 : index
    tpu.barrier barrier_id(%barrier3A_137)
    %dma_start3A_138 = arith.constant 198 : i32
    %dma_start3A_139 = arith.constant 0 : i32
    %dma_start3A_140 = tpu.memref_slice %arg4[%dma_start3A_138, %add3A_97, %dma_start3A_139] : memref<200x64x4096xf32, #tpu.memory_space<hbm>> -> memref<1x1x4096xf32, #tpu.memory_space<hbm>>
    %dma_start3A_141 = tpu.memref_squeeze %dma_start3A_140 : memref<1x1x4096xf32, #tpu.memory_space<hbm>> -> memref<4096xf32, #tpu.memory_space<hbm>>
    %dma_start3A_142 = arith.constant 0 : i32
    %dma_start3A_143 = tpu.memref_slice %arg4[%dma_start3A_138, %add3A_97, %dma_start3A_142] : memref<200x64x4096xf32, #tpu.memory_space<hbm>> -> memref<1x1x4096xf32, #tpu.memory_space<hbm>>
    %dma_start3A_144 = tpu.memref_squeeze %dma_start3A_143 : memref<1x1x4096xf32, #tpu.memory_space<hbm>> -> memref<4096xf32, #tpu.memory_space<hbm>>
    tpu.enqueue_dma source(%arg9 : memref<4096xf32, #tpu.memory_space<vmem>>) target(%dma_start3A_144 : memref<4096xf32, #tpu.memory_space<hbm>>) target_semaphore(%arg15 : memref<!tpu.dma_semaphore, #tpu.memory_space<semaphore_mem>>)
    %dma_wait3A_145 = arith.constant 0 : i32
    %dma_wait3A_146 = arith.constant 0 : i32
    %dma_wait3A_147 = arith.constant 0 : i32
    %dma_wait3A_148 = tpu.memref_slice %arg4[%dma_wait3A_145, %dma_wait3A_146, %dma_wait3A_147] : memref<200x64x4096xf32, #tpu.memory_space<hbm>> -> memref<1x1x4096xf32, #tpu.memory_space<hbm>>
    %dma_wait3A_149 = tpu.memref_squeeze %dma_wait3A_148 : memref<1x1x4096xf32, #tpu.memory_space<hbm>> -> memref<4096xf32, #tpu.memory_space<hbm>>
    %dma_wait3A_150 = arith.constant 0 : i32
    %dma_wait3A_151 = tpu.memref_slice %arg4[%dma_wait3A_145, %dma_wait3A_146, %dma_wait3A_150] : memref<200x64x4096xf32, #tpu.memory_space<hbm>> -> memref<1x1x4096xf32, #tpu.memory_space<hbm>>
    %dma_wait3A_152 = tpu.memref_squeeze %dma_wait3A_151 : memref<1x1x4096xf32, #tpu.memory_space<hbm>> -> memref<4096xf32, #tpu.memory_space<hbm>>
    tpu.wait_dma2 semaphore(%arg16 : memref<!tpu.dma_semaphore, #tpu.memory_space<semaphore_mem>>) src(%arg10 : memref<4096xf32, #tpu.memory_space<vmem>>) dst(%dma_wait3A_152 : memref<4096xf32, #tpu.memory_space<hbm>>)
    %dma_wait3A_153 = arith.constant 0 : i32
    %dma_wait3A_154 = arith.constant 0 : i32
    %dma_wait3A_155 = tpu.memref_slice %arg2[%dma_wait3A_153, %dma_wait3A_154] : memref<200x4096xi32, #tpu.memory_space<hbm>> -> memref<1x4096xi32, #tpu.memory_space<hbm>>
    %dma_wait3A_156 = tpu.memref_squeeze %dma_wait3A_155 : memref<1x4096xi32, #tpu.memory_space<hbm>> -> memref<4096xi32, #tpu.memory_space<hbm>>
    %dma_wait3A_157 = arith.constant 0 : i32
    %dma_wait3A_158 = tpu.memref_slice %arg2[%dma_wait3A_153, %dma_wait3A_157] : memref<200x4096xi32, #tpu.memory_space<hbm>> -> memref<1x4096xi32, #tpu.memory_space<hbm>>
    %dma_wait3A_159 = tpu.memref_squeeze %dma_wait3A_158 : memref<1x4096xi32, #tpu.memory_space<hbm>> -> memref<4096xi32, #tpu.memory_space<hbm>>
    tpu.wait_dma2 semaphore(%arg13 : memref<!tpu.dma_semaphore, #tpu.memory_space<semaphore_mem>>) src(%dma_wait3A_159 : memref<4096xi32, #tpu.memory_space<hbm>>) dst(%arg7 : memref<4096xi32, #tpu.memory_space<vmem>>)
    %barrier3A_160 = arith.constant 0 : index
    tpu.barrier barrier_id(%barrier3A_160)
    %parallel_loop3A_161 = arith.constant 0 : i32
    %parallel_loop3A_162 = arith.constant 256 : i32
    %parallel_loop3A_163 = arith.constant 1 : i32
    scf.for %parallel_loop3A_196 = %parallel_loop3A_161 to %parallel_loop3A_162 step %parallel_loop3A_163  : i32 {
      %parallel_loop3A_197 = arith.constant 16 : i32
      %parallel_loop3A_198 = arith.muli %parallel_loop3A_196, %parallel_loop3A_197 : i32
      %parallel_loop3A_199 = tpu.assume_multiple %parallel_loop3A_198, 16 : i32
      %parallel_loop3A_200 = arith.index_cast %parallel_loop3A_199 : i32 to index
      %parallel_loop3A_201 = tpu.vector_load %arg7[%parallel_loop3A_200] {strides = array<i32>} : memref<4096xi32, #tpu.memory_space<vmem>>, vector<16xi32>,
      %parallel_loop3A_202 = tpu.vector_load_idx %arg5[%parallel_loop3A_201] : memref<100000xf32, #tpu.memory_space<vmem>>[vector<16xi32>], vector<16xf32>,
      %parallel_loop3A_203 = arith.index_cast %parallel_loop3A_199 : i32 to index
      %parallel_loop3A_204 = tpu.vector_load %arg10[%parallel_loop3A_203] {strides = array<i32>} : memref<4096xf32, #tpu.memory_space<vmem>>, vector<16xf32>,
      tpu.vector_store %arg10[%parallel_loop3A_203], %parallel_loop3A_202 {strides = array<i32>} : memref<4096xf32, #tpu.memory_space<vmem>>, vector<16xf32>,
    } {sc.loop_unroll_factor = 16 : i64, sc.parallel_access}
    %barrier3A_164 = arith.constant 0 : index
    tpu.barrier barrier_id(%barrier3A_164)
    %dma_start3A_165 = arith.constant 199 : i32
    %dma_start3A_166 = arith.constant 0 : i32
    %dma_start3A_167 = tpu.memref_slice %arg4[%dma_start3A_165, %add3A_97, %dma_start3A_166] : memref<200x64x4096xf32, #tpu.memory_space<hbm>> -> memref<1x1x4096xf32, #tpu.memory_space<hbm>>
    %dma_start3A_168 = tpu.memref_squeeze %dma_start3A_167 : memref<1x1x4096xf32, #tpu.memory_space<hbm>> -> memref<4096xf32, #tpu.memory_space<hbm>>
    %dma_start3A_169 = arith.constant 0 : i32
    %dma_start3A_170 = tpu.memref_slice %arg4[%dma_start3A_165, %add3A_97, %dma_start3A_169] : memref<200x64x4096xf32, #tpu.memory_space<hbm>> -> memref<1x1x4096xf32, #tpu.memory_space<hbm>>
    %dma_start3A_171 = tpu.memref_squeeze %dma_start3A_170 : memref<1x1x4096xf32, #tpu.memory_space<hbm>> -> memref<4096xf32, #tpu.memory_space<hbm>>
    tpu.enqueue_dma source(%arg10 : memref<4096xf32, #tpu.memory_space<vmem>>) target(%dma_start3A_171 : memref<4096xf32, #tpu.memory_space<hbm>>) target_semaphore(%arg16 : memref<!tpu.dma_semaphore, #tpu.memory_space<semaphore_mem>>)
    %dma_wait3A_172 = arith.constant 0 : i32
    %dma_wait3A_173 = arith.constant 0 : i32
    %dma_wait3A_174 = arith.constant 0 : i32
    %dma_wait3A_175 = tpu.memref_slice %arg4[%dma_wait3A_172, %dma_wait3A_173, %dma_wait3A_174] : memref<200x64x4096xf32, #tpu.memory_space<hbm>> -> memref<1x1x4096xf32, #tpu.memory_space<hbm>>
    %dma_wait3A_176 = tpu.memref_squeeze %dma_wait3A_175 : memref<1x1x4096xf32, #tpu.memory_space<hbm>> -> memref<4096xf32, #tpu.memory_space<hbm>>
    %dma_wait3A_177 = arith.constant 0 : i32
    %dma_wait3A_178 = tpu.memref_slice %arg4[%dma_wait3A_172, %dma_wait3A_173, %dma_wait3A_177] : memref<200x64x4096xf32, #tpu.memory_space<hbm>> -> memref<1x1x4096xf32, #tpu.memory_space<hbm>>
    %dma_wait3A_179 = tpu.memref_squeeze %dma_wait3A_178 : memref<1x1x4096xf32, #tpu.memory_space<hbm>> -> memref<4096xf32, #tpu.memory_space<hbm>>
    tpu.wait_dma2 semaphore(%arg17 : memref<!tpu.dma_semaphore, #tpu.memory_space<semaphore_mem>>) src(%arg11 : memref<4096xf32, #tpu.memory_space<vmem>>) dst(%dma_wait3A_179 : memref<4096xf32, #tpu.memory_space<hbm>>)
    %dma_wait3A_180 = arith.constant 0 : i32
    %dma_wait3A_181 = arith.constant 0 : i32
    %dma_wait3A_182 = arith.constant 0 : i32
    %dma_wait3A_183 = tpu.memref_slice %arg4[%dma_wait3A_180, %dma_wait3A_181, %dma_wait3A_182] : memref<200x64x4096xf32, #tpu.memory_space<hbm>> -> memref<1x1x4096xf32, #tpu.memory_space<hbm>>
    %dma_wait3A_184 = tpu.memref_squeeze %dma_wait3A_183 : memref<1x1x4096xf32, #tpu.memory_space<hbm>> -> memref<4096xf32, #tpu.memory_space<hbm>>
    %dma_wait3A_185 = arith.constant 0 : i32
    %dma_wait3A_186 = tpu.memref_slice %arg4[%dma_wait3A_180, %dma_wait3A_181, %dma_wait3A_185] : memref<200x64x4096xf32, #tpu.memory_space<hbm>> -> memref<1x1x4096xf32, #tpu.memory_space<hbm>>
    %dma_wait3A_187 = tpu.memref_squeeze %dma_wait3A_186 : memref<1x1x4096xf32, #tpu.memory_space<hbm>> -> memref<4096xf32, #tpu.memory_space<hbm>>
    tpu.wait_dma2 semaphore(%arg15 : memref<!tpu.dma_semaphore, #tpu.memory_space<semaphore_mem>>) src(%arg9 : memref<4096xf32, #tpu.memory_space<vmem>>) dst(%dma_wait3A_187 : memref<4096xf32, #tpu.memory_space<hbm>>)
    %dma_wait3A_188 = arith.constant 0 : i32
    %dma_wait3A_189 = arith.constant 0 : i32
    %dma_wait3A_190 = arith.constant 0 : i32
    %dma_wait3A_191 = tpu.memref_slice %arg4[%dma_wait3A_188, %dma_wait3A_189, %dma_wait3A_190] : memref<200x64x4096xf32, #tpu.memory_space<hbm>> -> memref<1x1x4096xf32, #tpu.memory_space<hbm>>
    %dma_wait3A_192 = tpu.memref_squeeze %dma_wait3A_191 : memref<1x1x4096xf32, #tpu.memory_space<hbm>> -> memref<4096xf32, #tpu.memory_space<hbm>>
    %dma_wait3A_193 = arith.constant 0 : i32
    %dma_wait3A_194 = tpu.memref_slice %arg4[%dma_wait3A_188, %dma_wait3A_189, %dma_wait3A_193] : memref<200x64x4096xf32, #tpu.memory_space<hbm>> -> memref<1x1x4096xf32, #tpu.memory_space<hbm>>
    %dma_wait3A_195 = tpu.memref_squeeze %dma_wait3A_194 : memref<1x1x4096xf32, #tpu.memory_space<hbm>> -> memref<4096xf32, #tpu.memory_space<hbm>>
    tpu.wait_dma2 semaphore(%arg16 : memref<!tpu.dma_semaphore, #tpu.memory_space<semaphore_mem>>) src(%arg10 : memref<4096xf32, #tpu.memory_space<vmem>>) dst(%dma_wait3A_195 : memref<4096xf32, #tpu.memory_space<hbm>>)
    return
  }
}

</mosaic_0001>

<sc_bundles>
// kernel: _gather_t.3.cloned.1.call-start
scs
__scs_entry_jumppad:
0x0: {  	(pc) =	sbr.rel $0x88, $3  }
0x1: {  	(tag) =	ssettag $0x0;
	lr =	simm.s32 $0x1  }
0x2: {  	[smem:$0x3F9F] =	sst lr;
	_ =	strace $0xD0000000  }
0x3: {  	_ = 	snop  }
0x4: {  	_ = 	snop  }
0x5: {  	_ = 	snop  }
0x6: {  	_ = 	snop  }
0x7: {  	_ = 	snop  }
__scs_overlays_trampoline_lowered:
0x8: {  	[smem:$0x3FAE] =	sst s0  }
0x9: {  	[smem:$0x3FAF] =	sst s1  }
0xa: {  	[smem:$0x3FB0] =	sst s2  }
0xb: {  	[smem:$0x3FB1] =	sst s3  }
0xc: {  	[smem:$0x3FB2] =	sst s4  }
0xd: {  	[smem:$0x3FB3] =	sst s5  }
0xe: {  	[smem:$0x3FB4] =	sst s6  }
0xf: {  	[smem:$0x3FB5] =	sst s7  }
0x10: {  	[smem:$0x3FB6] =	sst s8  }
0x11: {  	[smem:$0x3FB7] =	sst s9;
	s0 =	simm.s32 @!p0 $0x0  }
0x12: {  	s1 =	sld [smem:$0x3F9D];
	s0 =	simm.s32 @p0 $0x1  }
0x13: {  	[smem:$0x3FB8] =	sst s0;
	s0 =	simm.s32 @!p1 $0x0  }
0x14: {  	s2 =	sld [smem:$0x3F9C];
	s0 =	simm.s32 @p1 $0x1  }
0x15: {  	[smem:$0x3FB9] =	sst s0;
	s0 =	simm.s32 @!p2 $0x0  }
0x16: {  	s3 =	sld [smem:$0x3FDB];
	s0 =	simm.s32 @p2 $0x1  }
0x17: {  	s4 =	simm.s32 $0x1BF5;
	[smem:$0x3FBB] =	sst s0  }
0x18: {  	s0 =	sld [smem:$0x3F9E];
	_ =	swait.ge [sflag:s4], $0x0  }
0x19: {  	s7 =	sld [smem:$0x3F9F]  }
0x1a: {  	s8 =	sadd.s32 $0xFFFFE003, lr  }
0x1b: {  	s9 =	sadd.s32 $0xFFFFFEF7, lr;
	s5 =	simm.s32 $0xFFFFFFFF;
	p2 =	slt.u32 s8, $0xFFFFF086  }
0x1c: {  	p1 =	slt.u32 s9, $0xF7A;
	s5 =	simm.s32 @!p2 $0x0  }
0x1d: {  	s5 =	simm.s32 @p1 $0x1;
	p0 =	seq.s32 s7, s2  }
0x1e: {  	s7 =	smul.u32 @!p0 $0xF7A, s2;
	p2 =	seq.s32 @!p0 s5, $0x0  }
0x1f: {  	s9 =	smul.u32 $0xF7A, s1;
	s8 =	simm.s32 @!p0 $0x1BF5;
	p2 =	por !p2, p0  }
0x20: {  	[sflag:s8] =	ssyncset.s32 @!p0 $0xFFFFF086;
	s6 =	sadd.s32 @!p0 s3, s7;
	s7 =	simm.s32 @!p0 $0x108  }
0x21: {  	s3 =	sadd.s32 s3, s9;
	s6 =	sadd.s32 @!p0 $0x88, s6;
	s7 =	simm.s32 @p2 $0x1082  }
0x22: {  	[simem:s7], [sflag:s8] =	dma.local @!p0 [hbm:s6], $0xF7A  }
0x23: {  	s9 =	sor.u32 $0xD0000000, s2;
	s6 =	simm.s32 $0x108;
	_ =	swait.ge @!p0 [sflag:s8], $0x0  }
0x24: {  	s3 =	sadd.s32 $0x88, s3;
	s6 =	simm.s32 @!p1 $0x1082;
	[sflag:s4] =	ssyncset.s32 $0xFFFFF086  }
0x25: {  	[simem:s6], [sflag:s4] =	dma.local [hbm:s3], $0xF7A  }
0x26: {  	[smem:$0x3F9F] =	sst s1;
	(tag) =	ssettag s2;
	_ =	strace s9  }
0x27: {  	s1 =	sld [smem:$0x3FAF]  }
0x28: {  	s2 =	sld [smem:$0x3FB0]  }
0x29: {  	s4 =	sld [smem:$0x3FB2]  }
0x2a: {  	p0 =	seq.s32 s5, $0x0;
	s5 =	sld [smem:$0x3FB3]  }
0x2b: {  	s6 =	sld [smem:$0x3FB4]  }
0x2c: {  	s7 =	sld [smem:$0x3FB5]  }
0x2d: {  	s3 =	simm.s32 $0x108;
	s8 =	sld [smem:$0x3FB6]  }
0x2e: {  	s3 =	simm.s32 @!p0 $0x1082;
	s9 =	sld [smem:$0x3FB7]  }
0x2f: {  	lr =	sadd.s32 s0, s3;
	s0 =	sld [smem:$0x3FAE]  }
0x30: {  	s3 =	sld [smem:$0x3FB1]  }
0x31: {  	[smem:$0x3FBA] =	sst s10  }
0x32: {  	s10 =	sld [smem:$0x3FB8];
	_ =	sdelay $0x3  }
0x33: {  	p0 =	seq.s32 s10, $0x1;
	s10 =	sld [smem:$0x3FBA];
	_ =	sdelay $0x3  }
0x34: {  	[smem:$0x3FBA] =	sst s10  }
0x35: {  	s10 =	sld [smem:$0x3FB9];
	_ =	sdelay $0x3  }
0x36: {  	p1 =	seq.s32 s10, $0x1;
	s10 =	sld [smem:$0x3FBA];
	_ =	sdelay $0x3  }
0x37: {  	[smem:$0x3FBA] =	sst s10  }
0x38: {  	s10 =	sld [smem:$0x3FBB]  }
0x39: {  	_ = 	snop;
	(pc) =	sbr.ind lr, $3  }
0x3a: {  	_ = 	snop  }
0x3b: {  	_ = 	snop  }
0x3c: {  	p2 =	seq.s32 s10, $0x1;
	s10 =	sld [smem:$0x3FBA]  }
0x3d: {  	_ =	shalt  }
0x3e: {  	_ =	shalt  }
0x3f: {  	_ =	shalt  }
0x40: {  	_ =	shalt  }
0x41: {  	_ =	shalt  }
0x42: {  	_ =	shalt  }
0x43: {  	_ =	shalt  }
0x44: {  	_ =	shalt  }
0x45: {  	_ =	shalt  }
0x46: {  	_ =	shalt  }
0x47: {  	_ =	shalt  }
0x48: {  	_ =	shalt  }
0x49: {  	_ =	shalt  }
0x4a: {  	_ =	shalt  }
0x4b: {  	_ =	shalt  }
0x4c: {  	_ =	shalt  }
0x4d: {  	_ =	shalt  }
0x4e: {  	_ =	shalt  }
0x4f: {  	_ =	shalt  }
0x50: {  	_ =	shalt  }
0x51: {  	_ =	shalt  }
0x52: {  	_ =	shalt  }
0x53: {  	_ =	shalt  }
0x54: {  	_ =	shalt  }
0x55: {  	_ =	shalt  }
0x56: {  	_ =	shalt  }
0x57: {  	_ =	shalt  }
0x58: {  	_ =	shalt  }
0x59: {  	_ =	shalt  }
0x5a: {  	_ =	shalt  }
0x5b: {  	_ =	shalt  }
0x5c: {  	_ =	shalt  }
0x5d: {  	_ =	shalt  }
0x5e: {  	_ =	shalt  }
0x5f: {  	_ =	shalt  }
0x60: {  	_ =	shalt  }
0x61: {  	_ =	shalt  }
0x62: {  	_ =	shalt  }
0x63: {  	_ =	shalt  }
0x64: {  	_ =	shalt  }
0x65: {  	_ =	shalt  }
0x66: {  	_ =	shalt  }
0x67: {  	_ =	shalt  }
0x68: {  	_ =	shalt  }
0x69: {  	_ =	shalt  }
0x6a: {  	_ =	shalt  }
0x6b: {  	_ =	shalt  }
0x6c: {  	_ =	shalt  }
0x6d: {  	_ =	shalt  }
0x6e: {  	_ =	shalt  }
0x6f: {  	_ =	shalt  }
0x70: {  	_ =	shalt  }
0x71: {  	_ =	shalt  }
0x72: {  	_ =	shalt  }
0x73: {  	_ =	shalt  }
0x74: {  	_ =	shalt  }
0x75: {  	_ =	shalt  }
0x76: {  	_ =	shalt  }
0x77: {  	_ =	shalt  }
0x78: {  	_ =	shalt  }
0x79: {  	_ =	shalt  }
0x7a: {  	_ =	shalt  }
0x7b: {  	_ =	shalt  }
0x7c: {  	_ =	shalt  }
0x7d: {  	_ =	shalt  }
0x7e: {  	_ =	shalt  }
0x7f: {  	_ =	shalt  }
0x80: {  	_ =	shalt  }
0x81: {  	_ =	shalt  }
0x82: {  	_ =	shalt  }
0x83: {  	_ =	shalt  }
0x84: {  	_ =	shalt  }
0x85: {  	_ =	shalt  }
0x86: {  	_ =	shalt  }
0x87: {  	_ =	shalt  }
.Lfunc_end0:
.L_simem_size_0:
called_computation_lowered:
.L_overlay_start_0:
0x88: {  	s2 =	sld [smem:$0x3FD9]  }
0x89: {  	s3 =	sld [smem:$0x3FFE];
	_ =	sdelay $0x1  }
0x8a: {  	s1 =	srdreg.scid  }
0x8b: {  	s0 =	sand.u32 $0x1, s1  }
0x8c: {  	s18 =	sshll.u32 s0, $0xA;
	s2 =	sadd.s32 s3, s2  }
0x8d: {  	s2 =	sadd.s32 s2, s18  }
0x8e: {  	[smem:$0x3FC6] =	sst s2  }
0x8f: {  	_ = 	snop  }
0x90: {  	s2 =	sld [smem:$0x3FC9]  }
0x91: {  	s19 =	sld [smem:$0x3FC8]  }
0x92: {  	s4 =	sld [smem:$0x3FD0];
	(tm) =	ssettm $0x1  }
0x93: {  	s5 =	sld [smem:$0x3FFB];
	_ =	sdelay $0x3  }
0x94: {  	_ =	strace s5  }
0x95: {  	s5 =	sld [smem:$0x3FFC];
	_ =	sdelay $0x3  }
0x96: {  	_ =	strace s5  }
0x97: {  	s5 =	sld [smem:$0x3FFD];
	_ =	sdelay $0x3  }
0x98: {  	_ =	strace s5  }
0x99: {  	_ =	strace $0x8FFFFFFF  }
0x9a: {  	s20 =	sld [smem:$0x3FDB];
	_ =	sdelay $0x1  }
0x9b: {  	s6 =	simm.s32 $_scs_section_size  }
0x9c: {  	s7 =	simm.s32 $_size__tile_overlayer_lowered;
	s8 =	simm.s32 $_tile_overlayer_lowered  }
0x9d: {  	s23 =	simm.s32 $0x1BFF;
	s22 =	sshll.u32 s8, $0x1;
	s5 =	sadd.s32 s6, s20  }
0x9e: {  	s9 =	simm.s32 $0x0;
	s21 =	sshll.u32 s7, $0x1;
	s7 =	sadd.s32 s22, s5  }
0x9f: {  	[timem:s9], [sflag:s23] =	dma.local [hbm:s7], s21  }
0xa0: {  	_ =	swait.ge [sflag:s23], s21  }
0xa1: {  	s6 =	ssub.s32 $0x0, s21;
	[sflag:s23] =	ssyncset.done $0x0  }
0xa2: {  	[sflag:s23] =	ssyncadd.s32 s6;
	_ =	sdelay $0x1  }
0xa3: {  	s24 =	simm.s32 $0x1B8B  }
0xa4: {  	_ =	swait.ge [sflag:s24], $0x1  }
0xa5: {  	[sflag:s24] =	ssyncset.done $0x0  }
0xa6: {  	s25 =	simm.s32 $0x1B8E;
	[sflag:s24] =	ssyncadd.s32 $0xFFFFFFFF  }
0xa7: {  	s26 =	simm.s32 $execute0_lowered;
	[smem:$0x3FD2] =	sst s25  }
0xa8: {  	s6 =	sshll.u32 s26, $0x1;
	_ =	strace $0x80000046;
	[dreg:$0x1] =	wrdreg $0xFFFFFFFF  }
0xa9: {  	s28 =	simm.s32 $_size_execute0_lowered;
	s5 =	sadd.s32 s5, s6;
	[dreg:$0x0] =	wrdreg $0x0  }
0xaa: {  	s6 =	sshll.u32 s28, $0x1;
	[dreg:$0x2] =	wrdreg s5  }
0xab: {  	[dreg:$0x3] =	wrdreg s6  }
0xac: {  	[dreg:$0x4] =	wrdreg $0xC0  }
0xad: {  	_ =	task [dreg:s9], $0x5FFFF  }
0xae: {  	[dreg:$0x1] =	wrdreg $0xFFFFFFFF  }
0xaf: {  	[dreg:$0x0] =	wrdreg $0x60  }
0xb0: {  	[dreg:$0x2] =	wrdreg s2  }
0xb1: {  	[dreg:$0x3] =	wrdreg s19  }
0xb2: {  	[dreg:$0x4] =	wrdreg s4  }
0xb3: {  	[dreg:$0x5] =	wrdreg $0x9  }
0xb4: {  	_ =	task.clear_ibuf [dreg:s9], $0x6FFFF;
	_ =	strace $0x90000046  }
0xb5: {  	s29 =	simm.s32 $0x9;
	_ =	strace $0x80000048  }
0xb6: {  	_ =	swait.ge [sflag:s29], $0x1  }
0xb7: {  	[sflag:s29] =	ssyncadd.s32 $0xFFFFFFFF  }
0xb8: {  	_ =	strace $0x90000048  }
0xb9: {  	_ =	sfence  }
0xba: {  	s30 =	sld [smem:$0x0];
	_ =	sdelay $0x2  }
0xbb: {  	s31 =	sshll.u32 s1, $0xD;
	s1 =	sshrl.u32 s1, $0x2  }
0xbc: {  	s3 =	sand.u32 $0x4000, s31;
	s1 =	sadd.s32 s1, s30  }
0xbd: {  	s0 =	sor.u32 s3, s0;
	s1 =	sshll.u32 s1, $0x11  }
0xbe: {  	s0 =	sor.u32 s1, s0  }
0xbf: {  	s0 =	sadd.s32 $0x8F2B, s0  }
0xc0: {  	[sflag:s0] =	ssyncadd.remote.s32 $0x1  }
0xc1: {  	_ =	sfence.sel $0xFFFF  }
0xc2: {  	[dreg:$0x0] =	wrdreg $0xFFFFFFFF;
	(pc) =	sbr.abs _section_cstart, $3  }
0xc3: {  	[dreg:$0x1] =	wrdreg $0xFFFFFFFF  }
0xc4: {  	_ =	task.clear_ibuf [dreg:s9], $0x2FFFF;
	_ =	strace $0x9FFFFFFF  }
0xc5: {  	(tm) =	ssettm $0x7FFFFFFF  }
tec
execute0_lowered:
.L_overlay_start_1:
0x0: {  	(tag) =	ssettag $0x1  }
0x1: {  	s1 =	rddreg [dreg:$0x0]  }
0x2: {  	s0 =	rddreg [dreg:$0x1]  }
0x3: {  	s2 =	rddreg [dreg:$0x2]  }
0x4: {  	s3 =	srdreg.scid;
	s4 =	stileid.u32  }
0x5: {  	s17 =	simm.s32 $0x80;
	s18 =	simm.s32 $0x400;
	s28 =	simm.s32 $0x3  }
0x6: {  	s29 =	simm.s32 $0x1D700;
	s30 =	simm.s32 $0x4;
	s31 =	simm.s32 $0x5  }
0x7: {  	s3 =	sand.u32 $0x1, s3;
	s5 =	sshrl.u32 s4, $0x2;
	s4 =	sshll.u32 s4, $0x8  }
0x8: {  	s12 =	sadd.s32 $0x630000, s2;
	s14 =	sadd.s32 $0x638000, s2;
	s6 =	sshll.u32 s3, $0x7  }
0x9: {  	s7 =	sand.u32 $0x300, s4;
	s8 =	smul.u32 $0xC3800, s5;
	s4 =	simm.s32 $0x0  }
0xa: {  	s3 =	ssub.s32 $0x2, s3;
	s20 =	sshll.u32 s5, $0xF;
	s5 =	sor.u32 $0x4, s5  }
0xb: {  	s9 =	sor.u32 s6, s7;
	[smem:$0x7FF] =	sst s4;
	s19 =	sshrl.u32 s3, $0x1  }
0xc: {  	s10 =	smul.u32 $0xC3800, s5;
	s5 =	sshll.u32 s5, $0xF;
	s6 =	sor.u32 s8, s9  }
0xd: {  	_ =	strace $0x80000047;
	s3 =	ssub.s32 s3, s19;
	s7 =	sor.u32 s20, s9  }
0xe: {  	s19 =	simm.s32 $0x7;
	s20 =	simm.s32 $0x18700;
	s6 =	sshrl.u32 s6, $0x3  }
0xf: {  	s11 =	sshrl.u32 s7, $0x3;
	s8 =	sor.u32 $0x40000, s7;
	s21 =	sor.u32 s9, s10  }
0x10: {  	s10 =	sor.u32 s5, s9;
	s26 =	smax.u32 s3, $0x1;
	s3 =	simm.s32 $0x6  }
0x11: {  	s6 =	sadd.s32 s0, s6;
	s13 =	sadd.s32 s11, s12;
	[dreg:$0xa] =	wrdreg s26  }
0x12: {  	s22 =	sadd.s32 s11, s14;
	s23 =	sshrl.u32 s21, $0x3;
	[dreg:$0x4] =	wrdreg s6  }
0x13: {  	s9 =	sshrl.u32 s10, $0x3;
	s21 =	simm.s32 $0x19700;
	[dreg:$0x5] =	wrdreg s13  }
0x14: {  	s26 =	simm.s32 $0x1C700;
	[dreg:$0x6] =	wrdreg s22;
	s0 =	sadd.s32 s0, s23  }
0x15: {  	s6 =	sadd.s32 $0x10, s1;
	s24 =	sadd.s32 s9, s12;
	[dreg:$0x7] =	wrdreg s0  }
0x16: {  	s13 =	sor.u32 $0x40000, s10;
	s25 =	sadd.s32 s9, s14;
	[dreg:$0x8] =	wrdreg s24  }
0x17: {  	s22 =	simm.s32 $0x1A700;
	s23 =	simm.s32 $0x1;
	[dreg:$0x9] =	wrdreg s25  }
0x18: {  	s24 =	simm.s32 $0x1B700;
	s25 =	simm.s32 $0x2;
	s0 =	simm.s32 $0x0  }
.LBB2_1:
0x19: {  	s5 =	rddreg [dreg:$0x4]  }
0x1a: {  	[tilespmem:s4], [sflag:$0x7] =	stream.strided.gather [hbm4b:s5+s17], $0x18700, s18, s17, $0x38;
	[tilespmem:$0x1E700] =	vst v63  }
0x1b: {  	_ =	swait.ge [sflag:s19], $0x18700  }
0x1c: {  	[sflag:s19] =	ssyncset.done $0x0  }
0x1d: {  	[sflag:s19] =	ssyncadd.s32 $0xFFFE7900  }
0x1e: {  	[tilespmem:s20], [sflag:$0x1] =	stream.strided.gather [hbm4b:s1+s17], $0x1000, s18, s17, $0x38;
	[tilespmem:$0x1E700] =	vst v63  }
0x1f: {  	s5 =	simm.s32 $0x0  }
0x20: {  	[tilespmem:s21], [sflag:$0x2] =	stream.strided.gather [hbm4b:s6+s17], $0x1000, s18, s17, $0x38;
	[tilespmem:$0x1E700] =	vst v63  }
.LBB2_2:
0x21: {  	s11 =	smul.u32 $0x3, s5;
	_ =	sdelay $0x1  }
0x22: {  	s9 =	sadd.s32 $0x2, s11  }
0x23: {  	s12 =	sshll.u32 s9, $0x4  }
0x24: {  	s14 =	sshll.u32 s9, $0x9;
	s12 =	sand.u32 $0x70, s12  }
0x25: {  	s14 =	sand.u32 $0x7F000, s14;
	s12 =	sadd.s32 s1, s12  }
0x26: {  	p0 =	seq.s32 s5, $0x0;
	s12 =	sadd.s32 s14, s12  }
0x27: {  	[tilespmem:s22], [sflag:$0x3] =	stream.strided.gather [hbm4b:s12+s17], $0x1000, s18, s17, $0x38;
	[tilespmem:$0x1E700] =	vst v63  }
0x28: {  	s12 =	simm.s32 @!p0 $0x4  }
0x29: {  	_ =	swait.ge @!p0 [sflag:s12], $0x1000  }
0x2a: {  	[sflag:s12] =	ssyncset.done @!p0 $0x0  }
0x2b: {  	[sflag:s12] =	ssyncadd.s32 @!p0 $0xFFFFF000  }
0x2c: {  	_ =	swait.ge [sflag:s23], $0x1000  }
0x2d: {  	[sflag:s23] =	ssyncset.done $0x0  }
0x2e: {  	[sflag:s23] =	ssyncadd.s32 $0xFFFFF000  }
0x2f: {  	s16 =	simm.s32 $0x18780;
	[bflag:$0x0] =	sbarrier.arrive $0xFFFF  }
0x30: {  	v0 =	vld [tilespmem:s16+$0x70]  }
0x31: {  	v1 =	vld [tilespmem:s16+$0xFFFFFF90]  }
0x32: {  	v2 =	vld [tilespmem:s16+$0xFFFFFFA0]  }
0x33: {  	v3 =	vld [tilespmem:s16+$0xFFFFFFB0]  }
0x34: {  	v4 =	vld [tilespmem:s16+$0xFFFFFFC0]  }
0x35: {  	v5 =	vld [tilespmem:s16+$0xFFFFFFD0]  }
0x36: {  	v6 =	vld [tilespmem:s16+$0xFFFFFFE0]  }
0x37: {  	v7 =	vld [tilespmem:s16+$0xFFFFFFF0]  }
0x38: {  	v8 =	vld [tilespmem:s16+$0x0]  }
0x39: {  	v9 =	vld [tilespmem:s16+$0x10]  }
0x3a: {  	v10 =	vld [tilespmem:s16+$0x20]  }
0x3b: {  	v11 =	vld [tilespmem:s16+$0x30]  }
0x3c: {  	v12 =	vld [tilespmem:s16+$0x40]  }
0x3d: {  	v13 =	vld [tilespmem:s16+$0x50]  }
0x3e: {  	v14 =	vld [tilespmem:s16+$0x60]  }
0x3f: {  	v15 =	vld [tilespmem:s16+$0xFFFFFF80]  }
0x40: {  	v0 =	vld.idx.msk [tilespmem:v0+s4+$0x0], $0xffff  }
0x41: {  	v1 =	vld.idx.msk [tilespmem:v1+s4+$0x0], $0xffff  }
0x42: {  	v2 =	vld.idx.msk [tilespmem:v2+s4+$0x0], $0xffff  }
0x43: {  	v3 =	vld.idx.msk [tilespmem:v3+s4+$0x0], $0xffff  }
0x44: {  	v4 =	vld.idx.msk [tilespmem:v4+s4+$0x0], $0xffff  }
0x45: {  	s14 =	simm.s32 $0x1B780;
	v5 =	vld.idx.msk [tilespmem:v5+s4+$0x0], $0xffff  }
0x46: {  	v6 =	vld.idx.msk [tilespmem:v6+s4+$0x0], $0xffff;
	[tilespmem:s14+$0x70] =	vst v0  }
0x47: {  	v7 =	vld.idx.msk [tilespmem:v7+s4+$0x0], $0xffff;
	[tilespmem:s14+$0xFFFFFF90] =	vst v1  }
0x48: {  	v15 =	vld.idx.msk [tilespmem:v15+s4+$0x0], $0xffff;
	[tilespmem:s14+$0xFFFFFFA0] =	vst v2  }
0x49: {  	v8 =	vld.idx.msk [tilespmem:v8+s4+$0x0], $0xffff;
	[tilespmem:s14+$0xFFFFFFB0] =	vst v3  }
0x4a: {  	[tilespmem:s14+$0xFFFFFFC0] =	vst v4;
	v0 =	vld.idx.msk [tilespmem:v9+s4+$0x0], $0xffff  }
0x4b: {  	[tilespmem:s14+$0xFFFFFFD0] =	vst v5;
	v1 =	vld.idx.msk [tilespmem:v10+s4+$0x0], $0xffff  }
0x4c: {  	[tilespmem:s14+$0xFFFFFFE0] =	vst v6;
	v2 =	vld.idx.msk [tilespmem:v11+s4+$0x0], $0xffff  }
0x4d: {  	[tilespmem:s14+$0xFFFFFFF0] =	vst v7;
	v3 =	vld.idx.msk [tilespmem:v12+s4+$0x0], $0xffff  }
0x4e: {  	[tilespmem:s14+$0xFFFFFF80] =	vst v15;
	v4 =	vld.idx.msk [tilespmem:v13+s4+$0x0], $0xffff  }
0x4f: {  	s15 =	simm.s32 $0x18880;
	s12 =	simm.s32 $0x0;
	[tilespmem:s14+$0x0] =	vst v8;
	v5 =	vld.idx.msk [tilespmem:v14+s4+$0x0], $0xffff  }
.LBB2_3:
0x50: {  	v6 =	vld [tilespmem:s15+$0x70];
	s12 =	sadd.s32 $0x10, s12;
	[tilespmem:s14+$0x10] =	vst v0  }
0x51: {  	v0 =	vld [tilespmem:s15+$0xFFFFFF90];
	p1 =	slt.u32 s12, $0xF0;
	[tilespmem:s14+$0x20] =	vst v1  }
0x52: {  	v1 =	vld [tilespmem:s15+$0xFFFFFFA0];
	[tilespmem:s14+$0x30] =	vst v2  }
0x53: {  	v2 =	vld [tilespmem:s15+$0xFFFFFFB0];
	[tilespmem:s14+$0x40] =	vst v3  }
0x54: {  	v3 =	vld [tilespmem:s15+$0xFFFFFFC0];
	[tilespmem:s14+$0x50] =	vst v4  }
0x55: {  	v4 =	vld [tilespmem:s15+$0xFFFFFFD0];
	[tilespmem:s14+$0x60] =	vst v5  }
0x56: {  	v5 =	vld [tilespmem:s15+$0xFFFFFFE0]  }
0x57: {  	v7 =	vld [tilespmem:s15+$0xFFFFFFF0]  }
0x58: {  	v6 =	vld.idx.msk [tilespmem:v6+s4+$0x0], $0xffff  }
0x59: {  	v8 =	vld [tilespmem:s15+$0x0]  }
0x5a: {  	v9 =	vld [tilespmem:s15+$0x10]  }
0x5b: {  	v10 =	vld [tilespmem:s15+$0x20]  }
0x5c: {  	v11 =	vld [tilespmem:s15+$0x30]  }
0x5d: {  	s14 =	sadd.s32 $0x100, s14;
	v12 =	vld [tilespmem:s15+$0x40]  }
0x5e: {  	v13 =	vld [tilespmem:s15+$0x50];
	[tilespmem:s14+$0x70] =	vst v6  }
0x5f: {  	v6 =	vld [tilespmem:s15+$0x60]  }
0x60: {  	v14 =	vld [tilespmem:s15+$0xFFFFFF80]  }
0x61: {  	v0 =	vld.idx.msk [tilespmem:v0+s4+$0x0], $0xffff  }
0x62: {  	v1 =	vld.idx.msk [tilespmem:v1+s4+$0x0], $0xffff  }
0x63: {  	v2 =	vld.idx.msk [tilespmem:v2+s4+$0x0], $0xffff  }
0x64: {  	v3 =	vld.idx.msk [tilespmem:v3+s4+$0x0], $0xffff  }
0x65: {  	v4 =	vld.idx.msk [tilespmem:v4+s4+$0x0], $0xffff  }
0x66: {  	v5 =	vld.idx.msk [tilespmem:v5+s4+$0x0], $0xffff  }
0x67: {  	[tilespmem:s14+$0xFFFFFF90] =	vst v0;
	v7 =	vld.idx.msk [tilespmem:v7+s4+$0x0], $0xffff  }
0x68: {  	v14 =	vld.idx.msk [tilespmem:v14+s4+$0x0], $0xffff;
	[tilespmem:s14+$0xFFFFFFA0] =	vst v1  }
0x69: {  	[tilespmem:s14+$0xFFFFFFB0] =	vst v2;
	v8 =	vld.idx.msk [tilespmem:v8+s4+$0x0], $0xffff  }
0x6a: {  	[tilespmem:s14+$0xFFFFFFC0] =	vst v3;
	v0 =	vld.idx.msk [tilespmem:v9+s4+$0x0], $0xffff  }
.Ltmp0:
0x6b: {  	[tilespmem:s14+$0xFFFFFFD0] =	vst v4;
	v1 =	vld.idx.msk [tilespmem:v10+s4+$0x0], $0xffff;
	(pc) =	sbr.rel @p1 .LBB2_3-.Ltmp0, $4  }
0x6c: {  	[tilespmem:s14+$0xFFFFFFE0] =	vst v5;
	v2 =	vld.idx.msk [tilespmem:v11+s4+$0x0], $0xffff  }
0x6d: {  	[tilespmem:s14+$0xFFFFFFF0] =	vst v7;
	v3 =	vld.idx.msk [tilespmem:v12+s4+$0x0], $0xffff  }
0x6e: {  	[tilespmem:s14+$0xFFFFFF80] =	vst v14;
	v4 =	vld.idx.msk [tilespmem:v13+s4+$0x0], $0xffff  }
0x6f: {  	s15 =	sadd.s32 $0x100, s15;
	[tilespmem:s14+$0x0] =	vst v8;
	v5 =	vld.idx.msk [tilespmem:v6+s4+$0x0], $0xffff  }
0x70: {  	[tilespmem:s14+$0x10] =	vst v0  }
0x71: {  	[tilespmem:s14+$0x20] =	vst v1  }
0x72: {  	s12 =	smul.u32 $0xC0000, s5;
	[tilespmem:s14+$0x30] =	vst v2  }
0x73: {  	[tilespmem:s14+$0x40] =	vst v3  }
0x74: {  	s15 =	sor.u32 s12, s7;
	[tilespmem:s14+$0x50] =	vst v4  }
0x75: {  	s16 =	sshrl.u32 s15, $0x3;
	s15 =	sadd.s32 $0x3, s11;
	[tilespmem:s14+$0x60] =	vst v5  }
0x76: {  	s14 =	sadd.s32 s2, s16;
	s16 =	sshll.u32 s15, $0x4;
	[bflag:$0x0] =	sbarrier.arrive $0xFFFF  }
0x77: {  	[hbm4b:s14+s17] =	stream.strided.scatter [tilespmem:s24], [sflag:$0x4], $0x1000, s18, s17, $0x38;
	[tilespmem:$0x1E700] =	vst v63  }
0x78: {  	s14 =	sshll.u32 s15, $0x9;
	s15 =	sand.u32 $0x70, s16  }
0x79: {  	s14 =	sand.u32 $0x7F000, s14;
	s15 =	sadd.s32 s1, s15  }
0x7a: {  	s14 =	sadd.s32 s14, s15  }
0x7b: {  	[tilespmem:s20], [sflag:$0x1] =	stream.strided.gather [hbm4b:s14+s17], $0x1000, s18, s17, $0x38;
	[tilespmem:$0x1E700] =	vst v63  }
0x7c: {  	s14 =	simm.s32 @!p0 $0x5  }
0x7d: {  	_ =	swait.ge @!p0 [sflag:s14], $0x1000  }
0x7e: {  	[sflag:s14] =	ssyncset.done @!p0 $0x0  }
0x7f: {  	[sflag:s14] =	ssyncadd.s32 @!p0 $0xFFFFF000  }
0x80: {  	_ =	swait.ge [sflag:s25], $0x1000  }
0x81: {  	[sflag:s25] =	ssyncset.done $0x0  }
0x82: {  	[sflag:s25] =	ssyncadd.s32 $0xFFFFF000  }
0x83: {  	s16 =	simm.s32 $0x19780;
	[bflag:$0x0] =	sbarrier.arrive $0xFFFF  }
0x84: {  	v0 =	vld [tilespmem:s16+$0x70]  }
0x85: {  	v1 =	vld [tilespmem:s16+$0xFFFFFF90]  }
0x86: {  	v2 =	vld [tilespmem:s16+$0xFFFFFFA0]  }
0x87: {  	v3 =	vld [tilespmem:s16+$0xFFFFFFB0]  }
0x88: {  	v4 =	vld [tilespmem:s16+$0xFFFFFFC0]  }
0x89: {  	v5 =	vld [tilespmem:s16+$0xFFFFFFD0]  }
0x8a: {  	v6 =	vld [tilespmem:s16+$0xFFFFFFE0]  }
0x8b: {  	v7 =	vld [tilespmem:s16+$0xFFFFFFF0]  }
0x8c: {  	v8 =	vld [tilespmem:s16+$0x0]  }
0x8d: {  	v9 =	vld [tilespmem:s16+$0x10]  }
0x8e: {  	v10 =	vld [tilespmem:s16+$0x20]  }
0x8f: {  	v11 =	vld [tilespmem:s16+$0x30]  }
0x90: {  	v12 =	vld [tilespmem:s16+$0x40]  }
0x91: {  	v13 =	vld [tilespmem:s16+$0x50]  }
0x92: {  	v14 =	vld [tilespmem:s16+$0x60]  }
0x93: {  	v15 =	vld [tilespmem:s16+$0xFFFFFF80]  }
0x94: {  	v0 =	vld.idx.msk [tilespmem:v0+s4+$0x0], $0xffff  }
0x95: {  	v1 =	vld.idx.msk [tilespmem:v1+s4+$0x0], $0xffff  }
0x96: {  	v2 =	vld.idx.msk [tilespmem:v2+s4+$0x0], $0xffff  }
0x97: {  	v3 =	vld.idx.msk [tilespmem:v3+s4+$0x0], $0xffff  }
0x98: {  	v4 =	vld.idx.msk [tilespmem:v4+s4+$0x0], $0xffff  }
0x99: {  	s14 =	simm.s32 $0x1C780;
	v5 =	vld.idx.msk [tilespmem:v5+s4+$0x0], $0xffff  }
0x9a: {  	v6 =	vld.idx.msk [tilespmem:v6+s4+$0x0], $0xffff;
	[tilespmem:s14+$0x70] =	vst v0  }
0x9b: {  	v7 =	vld.idx.msk [tilespmem:v7+s4+$0x0], $0xffff;
	[tilespmem:s14+$0xFFFFFF90] =	vst v1  }
0x9c: {  	v15 =	vld.idx.msk [tilespmem:v15+s4+$0x0], $0xffff;
	[tilespmem:s14+$0xFFFFFFA0] =	vst v2  }
0x9d: {  	v8 =	vld.idx.msk [tilespmem:v8+s4+$0x0], $0xffff;
	[tilespmem:s14+$0xFFFFFFB0] =	vst v3  }
0x9e: {  	[tilespmem:s14+$0xFFFFFFC0] =	vst v4;
	v0 =	vld.idx.msk [tilespmem:v9+s4+$0x0], $0xffff  }
0x9f: {  	[tilespmem:s14+$0xFFFFFFD0] =	vst v5;
	v1 =	vld.idx.msk [tilespmem:v10+s4+$0x0], $0xffff  }
0xa0: {  	[tilespmem:s14+$0xFFFFFFE0] =	vst v6;
	v2 =	vld.idx.msk [tilespmem:v11+s4+$0x0], $0xffff  }
0xa1: {  	[tilespmem:s14+$0xFFFFFFF0] =	vst v7;
	v3 =	vld.idx.msk [tilespmem:v12+s4+$0x0], $0xffff  }
0xa2: {  	[tilespmem:s14+$0xFFFFFF80] =	vst v15;
	v4 =	vld.idx.msk [tilespmem:v13+s4+$0x0], $0xffff  }
0xa3: {  	s15 =	simm.s32 $0x0;
	s16 =	simm.s32 $0x19880;
	[tilespmem:s14+$0x0] =	vst v8;
	v5 =	vld.idx.msk [tilespmem:v14+s4+$0x0], $0xffff  }
.LBB2_5:
0xa4: {  	v6 =	vld [tilespmem:s16+$0x70];
	s15 =	sadd.s32 $0x10, s15;
	[tilespmem:s14+$0x10] =	vst v0  }
0xa5: {  	v0 =	vld [tilespmem:s16+$0xFFFFFF90];
	p1 =	slt.u32 s15, $0xF0;
	[tilespmem:s14+$0x20] =	vst v1  }
0xa6: {  	v1 =	vld [tilespmem:s16+$0xFFFFFFA0];
	[tilespmem:s14+$0x30] =	vst v2  }
0xa7: {  	v2 =	vld [tilespmem:s16+$0xFFFFFFB0];
	[tilespmem:s14+$0x40] =	vst v3  }
0xa8: {  	v3 =	vld [tilespmem:s16+$0xFFFFFFC0];
	[tilespmem:s14+$0x50] =	vst v4  }
0xa9: {  	v4 =	vld [tilespmem:s16+$0xFFFFFFD0];
	[tilespmem:s14+$0x60] =	vst v5  }
0xaa: {  	v5 =	vld [tilespmem:s16+$0xFFFFFFE0]  }
0xab: {  	v7 =	vld [tilespmem:s16+$0xFFFFFFF0]  }
0xac: {  	v6 =	vld.idx.msk [tilespmem:v6+s4+$0x0], $0xffff  }
0xad: {  	v8 =	vld [tilespmem:s16+$0x0]  }
0xae: {  	v9 =	vld [tilespmem:s16+$0x10]  }
0xaf: {  	v10 =	vld [tilespmem:s16+$0x20]  }
0xb0: {  	v11 =	vld [tilespmem:s16+$0x30]  }
0xb1: {  	s14 =	sadd.s32 $0x100, s14;
	v12 =	vld [tilespmem:s16+$0x40]  }
0xb2: {  	v13 =	vld [tilespmem:s16+$0x50];
	[tilespmem:s14+$0x70] =	vst v6  }
0xb3: {  	v6 =	vld [tilespmem:s16+$0x60]  }
0xb4: {  	v14 =	vld [tilespmem:s16+$0xFFFFFF80]  }
0xb5: {  	v0 =	vld.idx.msk [tilespmem:v0+s4+$0x0], $0xffff  }
0xb6: {  	v1 =	vld.idx.msk [tilespmem:v1+s4+$0x0], $0xffff  }
0xb7: {  	v2 =	vld.idx.msk [tilespmem:v2+s4+$0x0], $0xffff  }
0xb8: {  	v3 =	vld.idx.msk [tilespmem:v3+s4+$0x0], $0xffff  }
0xb9: {  	v4 =	vld.idx.msk [tilespmem:v4+s4+$0x0], $0xffff  }
0xba: {  	v5 =	vld.idx.msk [tilespmem:v5+s4+$0x0], $0xffff  }
0xbb: {  	[tilespmem:s14+$0xFFFFFF90] =	vst v0;
	v7 =	vld.idx.msk [tilespmem:v7+s4+$0x0], $0xffff  }
0xbc: {  	v14 =	vld.idx.msk [tilespmem:v14+s4+$0x0], $0xffff;
	[tilespmem:s14+$0xFFFFFFA0] =	vst v1  }
0xbd: {  	[tilespmem:s14+$0xFFFFFFB0] =	vst v2;
	v8 =	vld.idx.msk [tilespmem:v8+s4+$0x0], $0xffff  }
0xbe: {  	[tilespmem:s14+$0xFFFFFFC0] =	vst v3;
	v0 =	vld.idx.msk [tilespmem:v9+s4+$0x0], $0xffff  }
.Ltmp1:
0xbf: {  	[tilespmem:s14+$0xFFFFFFD0] =	vst v4;
	v1 =	vld.idx.msk [tilespmem:v10+s4+$0x0], $0xffff;
	(pc) =	sbr.rel @p1 .LBB2_5-.Ltmp1, $4  }
0xc0: {  	[tilespmem:s14+$0xFFFFFFE0] =	vst v5;
	v2 =	vld.idx.msk [tilespmem:v11+s4+$0x0], $0xffff  }
0xc1: {  	[tilespmem:s14+$0xFFFFFFF0] =	vst v7;
	v3 =	vld.idx.msk [tilespmem:v12+s4+$0x0], $0xffff  }
0xc2: {  	[tilespmem:s14+$0xFFFFFF80] =	vst v14;
	v4 =	vld.idx.msk [tilespmem:v13+s4+$0x0], $0xffff  }
0xc3: {  	s16 =	sadd.s32 $0x100, s16;
	[tilespmem:s14+$0x0] =	vst v8;
	v5 =	vld.idx.msk [tilespmem:v6+s4+$0x0], $0xffff  }
0xc4: {  	[tilespmem:s14+$0x10] =	vst v0  }
0xc5: {  	[tilespmem:s14+$0x20] =	vst v1  }
0xc6: {  	[tilespmem:s14+$0x30] =	vst v2  }
0xc7: {  	[tilespmem:s14+$0x40] =	vst v3  }
0xc8: {  	s12 =	sadd.s32 s8, s12;
	[tilespmem:s14+$0x50] =	vst v4  }
0xc9: {  	s11 =	sadd.s32 $0x4, s11;
	s12 =	sshrl.u32 s12, $0x3;
	[tilespmem:s14+$0x60] =	vst v5  }
0xca: {  	s15 =	sshll.u32 s11, $0x4;
	s12 =	sadd.s32 s2, s12;
	[bflag:$0x0] =	sbarrier.arrive $0xFFFF  }
0xcb: {  	[hbm4b:s12+s17] =	stream.strided.scatter [tilespmem:s26], [sflag:$0x5], $0x1000, s18, s17, $0x38;
	[tilespmem:$0x1E700] =	vst v63  }
0xcc: {  	s11 =	sshll.u32 s11, $0x9;
	s12 =	sand.u32 $0x70, s15  }
0xcd: {  	s11 =	sand.u32 $0x7F000, s11;
	s12 =	sadd.s32 s1, s12  }
0xce: {  	s11 =	sadd.s32 s11, s12  }
0xcf: {  	[tilespmem:s21], [sflag:$0x2] =	stream.strided.gather [hbm4b:s11+s17], $0x1000, s18, s17, $0x38;
	[tilespmem:$0x1E700] =	vst v63  }
0xd0: {  	s11 =	simm.s32 @!p0 $0x6  }
0xd1: {  	_ =	swait.ge @!p0 [sflag:s11], $0x1000  }
0xd2: {  	[sflag:s11] =	ssyncset.done @!p0 $0x0  }
0xd3: {  	[sflag:s11] =	ssyncadd.s32 @!p0 $0xFFFFF000  }
0xd4: {  	_ =	swait.ge [sflag:s28], $0x1000  }
0xd5: {  	[sflag:s28] =	ssyncset.done $0x0  }
0xd6: {  	[sflag:s28] =	ssyncadd.s32 $0xFFFFF000  }
0xd7: {  	s16 =	simm.s32 $0x1A780;
	[bflag:$0x0] =	sbarrier.arrive $0xFFFF  }
0xd8: {  	v0 =	vld [tilespmem:s16+$0x70]  }
0xd9: {  	v1 =	vld [tilespmem:s16+$0xFFFFFF90]  }
0xda: {  	v2 =	vld [tilespmem:s16+$0xFFFFFFA0]  }
0xdb: {  	v3 =	vld [tilespmem:s16+$0xFFFFFFB0]  }
0xdc: {  	v4 =	vld [tilespmem:s16+$0xFFFFFFC0]  }
0xdd: {  	v5 =	vld [tilespmem:s16+$0xFFFFFFD0]  }
0xde: {  	v6 =	vld [tilespmem:s16+$0xFFFFFFE0]  }
0xdf: {  	v7 =	vld [tilespmem:s16+$0xFFFFFFF0]  }
0xe0: {  	v8 =	vld [tilespmem:s16+$0x0]  }
0xe1: {  	v9 =	vld [tilespmem:s16+$0x10]  }
0xe2: {  	v10 =	vld [tilespmem:s16+$0x20]  }
0xe3: {  	v11 =	vld [tilespmem:s16+$0x30]  }
0xe4: {  	v12 =	vld [tilespmem:s16+$0x40]  }
0xe5: {  	v13 =	vld [tilespmem:s16+$0x50]  }
0xe6: {  	v14 =	vld [tilespmem:s16+$0x60]  }
0xe7: {  	v15 =	vld [tilespmem:s16+$0xFFFFFF80]  }
0xe8: {  	v0 =	vld.idx.msk [tilespmem:v0+s4+$0x0], $0xffff  }
0xe9: {  	v1 =	vld.idx.msk [tilespmem:v1+s4+$0x0], $0xffff  }
0xea: {  	v2 =	vld.idx.msk [tilespmem:v2+s4+$0x0], $0xffff  }
0xeb: {  	v3 =	vld.idx.msk [tilespmem:v3+s4+$0x0], $0xffff  }
0xec: {  	v4 =	vld.idx.msk [tilespmem:v4+s4+$0x0], $0xffff  }
0xed: {  	s11 =	simm.s32 $0x1D780;
	v5 =	vld.idx.msk [tilespmem:v5+s4+$0x0], $0xffff  }
0xee: {  	v6 =	vld.idx.msk [tilespmem:v6+s4+$0x0], $0xffff;
	[tilespmem:s11+$0x70] =	vst v0  }
0xef: {  	v7 =	vld.idx.msk [tilespmem:v7+s4+$0x0], $0xffff;
	[tilespmem:s11+$0xFFFFFF90] =	vst v1  }
0xf0: {  	v15 =	vld.idx.msk [tilespmem:v15+s4+$0x0], $0xffff;
	[tilespmem:s11+$0xFFFFFFA0] =	vst v2  }
0xf1: {  	v8 =	vld.idx.msk [tilespmem:v8+s4+$0x0], $0xffff;
	[tilespmem:s11+$0xFFFFFFB0] =	vst v3  }
0xf2: {  	[tilespmem:s11+$0xFFFFFFC0] =	vst v4;
	v0 =	vld.idx.msk [tilespmem:v9+s4+$0x0], $0xffff  }
0xf3: {  	[tilespmem:s11+$0xFFFFFFD0] =	vst v5;
	v1 =	vld.idx.msk [tilespmem:v10+s4+$0x0], $0xffff  }
0xf4: {  	[tilespmem:s11+$0xFFFFFFE0] =	vst v6;
	v2 =	vld.idx.msk [tilespmem:v11+s4+$0x0], $0xffff  }
0xf5: {  	[tilespmem:s11+$0xFFFFFFF0] =	vst v7;
	v3 =	vld.idx.msk [tilespmem:v12+s4+$0x0], $0xffff  }
0xf6: {  	[tilespmem:s11+$0xFFFFFF80] =	vst v15;
	v4 =	vld.idx.msk [tilespmem:v13+s4+$0x0], $0xffff  }
0xf7: {  	s14 =	simm.s32 $0x1A880;
	s12 =	simm.s32 $0x0;
	[tilespmem:s11+$0x0] =	vst v8;
	v5 =	vld.idx.msk [tilespmem:v14+s4+$0x0], $0xffff  }
.LBB2_7:
0xf8: {  	v6 =	vld [tilespmem:s14+$0x70];
	s12 =	sadd.s32 $0x10, s12;
	[tilespmem:s11+$0x10] =	vst v0  }
0xf9: {  	v0 =	vld [tilespmem:s14+$0xFFFFFF90];
	p0 =	slt.u32 s12, $0xF0;
	[tilespmem:s11+$0x20] =	vst v1  }
0xfa: {  	v1 =	vld [tilespmem:s14+$0xFFFFFFA0];
	[tilespmem:s11+$0x30] =	vst v2  }
0xfb: {  	v2 =	vld [tilespmem:s14+$0xFFFFFFB0];
	[tilespmem:s11+$0x40] =	vst v3  }
0xfc: {  	v3 =	vld [tilespmem:s14+$0xFFFFFFC0];
	[tilespmem:s11+$0x50] =	vst v4  }
0xfd: {  	v4 =	vld [tilespmem:s14+$0xFFFFFFD0];
	[tilespmem:s11+$0x60] =	vst v5  }
0xfe: {  	v5 =	vld [tilespmem:s14+$0xFFFFFFE0]  }
0xff: {  	v7 =	vld [tilespmem:s14+$0xFFFFFFF0]  }
0x100: {  	v6 =	vld.idx.msk [tilespmem:v6+s4+$0x0], $0xffff  }
0x101: {  	v8 =	vld [tilespmem:s14+$0x0]  }
0x102: {  	v9 =	vld [tilespmem:s14+$0x10]  }
0x103: {  	v10 =	vld [tilespmem:s14+$0x20]  }
0x104: {  	v11 =	vld [tilespmem:s14+$0x30]  }
0x105: {  	s11 =	sadd.s32 $0x100, s11;
	v12 =	vld [tilespmem:s14+$0x40]  }
0x106: {  	v13 =	vld [tilespmem:s14+$0x50];
	[tilespmem:s11+$0x70] =	vst v6  }
0x107: {  	v6 =	vld [tilespmem:s14+$0x60]  }
0x108: {  	v14 =	vld [tilespmem:s14+$0xFFFFFF80]  }
0x109: {  	v0 =	vld.idx.msk [tilespmem:v0+s4+$0x0], $0xffff  }
0x10a: {  	v1 =	vld.idx.msk [tilespmem:v1+s4+$0x0], $0xffff  }
0x10b: {  	v2 =	vld.idx.msk [tilespmem:v2+s4+$0x0], $0xffff  }
0x10c: {  	v3 =	vld.idx.msk [tilespmem:v3+s4+$0x0], $0xffff  }
0x10d: {  	v4 =	vld.idx.msk [tilespmem:v4+s4+$0x0], $0xffff  }
0x10e: {  	v5 =	vld.idx.msk [tilespmem:v5+s4+$0x0], $0xffff  }
0x10f: {  	[tilespmem:s11+$0xFFFFFF90] =	vst v0;
	v7 =	vld.idx.msk [tilespmem:v7+s4+$0x0], $0xffff  }
0x110: {  	v14 =	vld.idx.msk [tilespmem:v14+s4+$0x0], $0xffff;
	[tilespmem:s11+$0xFFFFFFA0] =	vst v1  }
0x111: {  	[tilespmem:s11+$0xFFFFFFB0] =	vst v2;
	v8 =	vld.idx.msk [tilespmem:v8+s4+$0x0], $0xffff  }
0x112: {  	[tilespmem:s11+$0xFFFFFFC0] =	vst v3;
	v0 =	vld.idx.msk [tilespmem:v9+s4+$0x0], $0xffff  }
.Ltmp2:
0x113: {  	[tilespmem:s11+$0xFFFFFFD0] =	vst v4;
	v1 =	vld.idx.msk [tilespmem:v10+s4+$0x0], $0xffff;
	(pc) =	sbr.rel @p0 .LBB2_7-.Ltmp2, $4  }
0x114: {  	[tilespmem:s11+$0xFFFFFFE0] =	vst v5;
	v2 =	vld.idx.msk [tilespmem:v11+s4+$0x0], $0xffff  }
0x115: {  	[tilespmem:s11+$0xFFFFFFF0] =	vst v7;
	v3 =	vld.idx.msk [tilespmem:v12+s4+$0x0], $0xffff  }
0x116: {  	[tilespmem:s11+$0xFFFFFF80] =	vst v14;
	v4 =	vld.idx.msk [tilespmem:v13+s4+$0x0], $0xffff  }
0x117: {  	s14 =	sadd.s32 $0x100, s14;
	[tilespmem:s11+$0x0] =	vst v8;
	v5 =	vld.idx.msk [tilespmem:v6+s4+$0x0], $0xffff  }
0x118: {  	[tilespmem:s11+$0x10] =	vst v0  }
0x119: {  	[tilespmem:s11+$0x20] =	vst v1;
	s5 =	sadd.s32 $0x1, s5  }
0x11a: {  	[tilespmem:s11+$0x30] =	vst v2;
	p0 =	sne.s32 s5, $0x42  }
.Ltmp3:
0x11b: {  	s9 =	sshll.u32 s9, $0x12;
	[tilespmem:s11+$0x40] =	vst v3;
	(pc) =	sbr.rel @p0 .LBB2_2-.Ltmp3, $4  }
0x11c: {  	s9 =	sor.u32 s7, s9;
	[tilespmem:s11+$0x50] =	vst v4  }
0x11d: {  	s9 =	sshrl.u32 s9, $0x3;
	[tilespmem:s11+$0x60] =	vst v5  }
0x11e: {  	s9 =	sadd.s32 s2, s9;
	[bflag:$0x0] =	sbarrier.arrive $0xFFFF  }
0x11f: {  	[hbm4b:s9+s17] =	stream.strided.scatter [tilespmem:s29], [sflag:$0x6], $0x1000, s18, s17, $0x38;
	[tilespmem:$0x1E700] =	vst v63  }
0x120: {  	_ =	swait.ge [sflag:s30], $0x1000  }
0x121: {  	[sflag:s30] =	ssyncset.done $0x0  }
0x122: {  	[sflag:s30] =	ssyncadd.s32 $0xFFFFF000  }
0x123: {  	_ =	swait.ge [sflag:s23], $0x1000  }
0x124: {  	[sflag:s23] =	ssyncset.done $0x0  }
0x125: {  	[sflag:s23] =	ssyncadd.s32 $0xFFFFF000  }
0x126: {  	s5 =	simm.s32 $0x18780;
	[bflag:$0x0] =	sbarrier.arrive $0xFFFF  }
0x127: {  	v0 =	vld [tilespmem:s5+$0x70]  }
0x128: {  	v1 =	vld [tilespmem:s5+$0xFFFFFF90]  }
0x129: {  	v2 =	vld [tilespmem:s5+$0xFFFFFFA0]  }
0x12a: {  	v3 =	vld [tilespmem:s5+$0xFFFFFFB0]  }
0x12b: {  	v4 =	vld [tilespmem:s5+$0xFFFFFFC0]  }
0x12c: {  	v5 =	vld [tilespmem:s5+$0xFFFFFFD0]  }
0x12d: {  	v6 =	vld [tilespmem:s5+$0xFFFFFFE0]  }
0x12e: {  	v7 =	vld [tilespmem:s5+$0xFFFFFFF0]  }
0x12f: {  	v8 =	vld [tilespmem:s5+$0x0]  }
0x130: {  	v9 =	vld [tilespmem:s5+$0x10]  }
0x131: {  	v10 =	vld [tilespmem:s5+$0x20]  }
0x132: {  	v11 =	vld [tilespmem:s5+$0x30]  }
0x133: {  	v12 =	vld [tilespmem:s5+$0x40]  }
0x134: {  	v13 =	vld [tilespmem:s5+$0x50]  }
0x135: {  	v14 =	vld [tilespmem:s5+$0x60]  }
0x136: {  	v15 =	vld [tilespmem:s5+$0xFFFFFF80]  }
0x137: {  	v0 =	vld.idx.msk [tilespmem:v0+s4+$0x0], $0xffff  }
0x138: {  	v1 =	vld.idx.msk [tilespmem:v1+s4+$0x0], $0xffff  }
0x139: {  	v2 =	vld.idx.msk [tilespmem:v2+s4+$0x0], $0xffff  }
0x13a: {  	v3 =	vld.idx.msk [tilespmem:v3+s4+$0x0], $0xffff  }
0x13b: {  	v4 =	vld.idx.msk [tilespmem:v4+s4+$0x0], $0xffff  }
0x13c: {  	s5 =	simm.s32 $0x1B780;
	v5 =	vld.idx.msk [tilespmem:v5+s4+$0x0], $0xffff  }
0x13d: {  	v6 =	vld.idx.msk [tilespmem:v6+s4+$0x0], $0xffff;
	[tilespmem:s5+$0x70] =	vst v0  }
0x13e: {  	v7 =	vld.idx.msk [tilespmem:v7+s4+$0x0], $0xffff;
	[tilespmem:s5+$0xFFFFFF90] =	vst v1  }
0x13f: {  	v15 =	vld.idx.msk [tilespmem:v15+s4+$0x0], $0xffff;
	[tilespmem:s5+$0xFFFFFFA0] =	vst v2  }
0x140: {  	v8 =	vld.idx.msk [tilespmem:v8+s4+$0x0], $0xffff;
	[tilespmem:s5+$0xFFFFFFB0] =	vst v3  }
0x141: {  	[tilespmem:s5+$0xFFFFFFC0] =	vst v4;
	v0 =	vld.idx.msk [tilespmem:v9+s4+$0x0], $0xffff  }
0x142: {  	[tilespmem:s5+$0xFFFFFFD0] =	vst v5;
	v1 =	vld.idx.msk [tilespmem:v10+s4+$0x0], $0xffff  }
0x143: {  	[tilespmem:s5+$0xFFFFFFE0] =	vst v6;
	v2 =	vld.idx.msk [tilespmem:v11+s4+$0x0], $0xffff  }
0x144: {  	[tilespmem:s5+$0xFFFFFFF0] =	vst v7;
	v3 =	vld.idx.msk [tilespmem:v12+s4+$0x0], $0xffff  }
0x145: {  	[tilespmem:s5+$0xFFFFFF80] =	vst v15;
	v4 =	vld.idx.msk [tilespmem:v13+s4+$0x0], $0xffff  }
0x146: {  	s9 =	simm.s32 $0x0;
	s11 =	simm.s32 $0x18880;
	[tilespmem:s5+$0x0] =	vst v8;
	v5 =	vld.idx.msk [tilespmem:v14+s4+$0x0], $0xffff  }
.LBB2_10:
0x147: {  	v6 =	vld [tilespmem:s11+$0x70];
	s9 =	sadd.s32 $0x10, s9;
	[tilespmem:s5+$0x10] =	vst v0  }
0x148: {  	v0 =	vld [tilespmem:s11+$0xFFFFFF90];
	p0 =	slt.u32 s9, $0xF0;
	[tilespmem:s5+$0x20] =	vst v1  }
0x149: {  	v1 =	vld [tilespmem:s11+$0xFFFFFFA0];
	[tilespmem:s5+$0x30] =	vst v2  }
0x14a: {  	v2 =	vld [tilespmem:s11+$0xFFFFFFB0];
	[tilespmem:s5+$0x40] =	vst v3  }
0x14b: {  	v3 =	vld [tilespmem:s11+$0xFFFFFFC0];
	[tilespmem:s5+$0x50] =	vst v4  }
0x14c: {  	v4 =	vld [tilespmem:s11+$0xFFFFFFD0];
	[tilespmem:s5+$0x60] =	vst v5  }
0x14d: {  	v5 =	vld [tilespmem:s11+$0xFFFFFFE0]  }
0x14e: {  	v7 =	vld [tilespmem:s11+$0xFFFFFFF0]  }
0x14f: {  	v6 =	vld.idx.msk [tilespmem:v6+s4+$0x0], $0xffff  }
0x150: {  	v8 =	vld [tilespmem:s11+$0x0]  }
0x151: {  	v9 =	vld [tilespmem:s11+$0x10]  }
0x152: {  	v10 =	vld [tilespmem:s11+$0x20]  }
0x153: {  	v11 =	vld [tilespmem:s11+$0x30]  }
0x154: {  	s5 =	sadd.s32 $0x100, s5;
	v12 =	vld [tilespmem:s11+$0x40]  }
0x155: {  	v13 =	vld [tilespmem:s11+$0x50];
	[tilespmem:s5+$0x70] =	vst v6  }
0x156: {  	v6 =	vld [tilespmem:s11+$0x60]  }
0x157: {  	v14 =	vld [tilespmem:s11+$0xFFFFFF80]  }
0x158: {  	v0 =	vld.idx.msk [tilespmem:v0+s4+$0x0], $0xffff  }
0x159: {  	v1 =	vld.idx.msk [tilespmem:v1+s4+$0x0], $0xffff  }
0x15a: {  	v2 =	vld.idx.msk [tilespmem:v2+s4+$0x0], $0xffff  }
0x15b: {  	v3 =	vld.idx.msk [tilespmem:v3+s4+$0x0], $0xffff  }
0x15c: {  	v4 =	vld.idx.msk [tilespmem:v4+s4+$0x0], $0xffff  }
0x15d: {  	v5 =	vld.idx.msk [tilespmem:v5+s4+$0x0], $0xffff  }
0x15e: {  	[tilespmem:s5+$0xFFFFFF90] =	vst v0;
	v7 =	vld.idx.msk [tilespmem:v7+s4+$0x0], $0xffff  }
0x15f: {  	v14 =	vld.idx.msk [tilespmem:v14+s4+$0x0], $0xffff;
	[tilespmem:s5+$0xFFFFFFA0] =	vst v1  }
0x160: {  	[tilespmem:s5+$0xFFFFFFB0] =	vst v2;
	v8 =	vld.idx.msk [tilespmem:v8+s4+$0x0], $0xffff  }
0x161: {  	[tilespmem:s5+$0xFFFFFFC0] =	vst v3;
	v0 =	vld.idx.msk [tilespmem:v9+s4+$0x0], $0xffff  }
.Ltmp4:
0x162: {  	[tilespmem:s5+$0xFFFFFFD0] =	vst v4;
	v1 =	vld.idx.msk [tilespmem:v10+s4+$0x0], $0xffff;
	(pc) =	sbr.rel @p0 .LBB2_10-.Ltmp4, $4  }
0x163: {  	[tilespmem:s5+$0xFFFFFFE0] =	vst v5;
	v2 =	vld.idx.msk [tilespmem:v11+s4+$0x0], $0xffff  }
0x164: {  	[tilespmem:s5+$0xFFFFFFF0] =	vst v7;
	v3 =	vld.idx.msk [tilespmem:v12+s4+$0x0], $0xffff  }
0x165: {  	[tilespmem:s5+$0xFFFFFF80] =	vst v14;
	v4 =	vld.idx.msk [tilespmem:v13+s4+$0x0], $0xffff  }
0x166: {  	s11 =	sadd.s32 $0x100, s11;
	[tilespmem:s5+$0x0] =	vst v8;
	v5 =	vld.idx.msk [tilespmem:v6+s4+$0x0], $0xffff  }
0x167: {  	[tilespmem:s5+$0x10] =	vst v0  }
0x168: {  	[tilespmem:s5+$0x20] =	vst v1  }
0x169: {  	[tilespmem:s5+$0x30] =	vst v2  }
0x16a: {  	[tilespmem:s5+$0x40] =	vst v3  }
0x16b: {  	[tilespmem:s5+$0x50] =	vst v4  }
0x16c: {  	[tilespmem:s5+$0x60] =	vst v5  }
0x16d: {  	[bflag:$0x0] =	sbarrier.arrive $0xFFFF  }
0x16e: {  	s15 =	rddreg [dreg:$0x5]  }
0x16f: {  	[hbm4b:s15+s17] =	stream.strided.scatter [tilespmem:s24], [sflag:$0x4], $0x1000, s18, s17, $0x38;
	[tilespmem:$0x1E700] =	vst v63  }
0x170: {  	_ =	swait.ge [sflag:s31], $0x1000  }
0x171: {  	[sflag:s31] =	ssyncset.done $0x0  }
0x172: {  	[sflag:s31] =	ssyncadd.s32 $0xFFFFF000  }
0x173: {  	_ =	swait.ge [sflag:s25], $0x1000  }
0x174: {  	[sflag:s25] =	ssyncset.done $0x0  }
0x175: {  	[sflag:s25] =	ssyncadd.s32 $0xFFFFF000  }
0x176: {  	s16 =	simm.s32 $0x19780;
	[bflag:$0x0] =	sbarrier.arrive $0xFFFF  }
0x177: {  	v0 =	vld [tilespmem:s16+$0x70]  }
0x178: {  	v1 =	vld [tilespmem:s16+$0xFFFFFF90]  }
0x179: {  	v2 =	vld [tilespmem:s16+$0xFFFFFFA0]  }
0x17a: {  	v3 =	vld [tilespmem:s16+$0xFFFFFFB0]  }
0x17b: {  	v4 =	vld [tilespmem:s16+$0xFFFFFFC0]  }
0x17c: {  	v5 =	vld [tilespmem:s16+$0xFFFFFFD0]  }
0x17d: {  	v6 =	vld [tilespmem:s16+$0xFFFFFFE0]  }
0x17e: {  	v7 =	vld [tilespmem:s16+$0xFFFFFFF0]  }
0x17f: {  	v8 =	vld [tilespmem:s16+$0x0]  }
0x180: {  	v9 =	vld [tilespmem:s16+$0x10]  }
0x181: {  	v10 =	vld [tilespmem:s16+$0x20]  }
0x182: {  	v11 =	vld [tilespmem:s16+$0x30]  }
0x183: {  	v12 =	vld [tilespmem:s16+$0x40]  }
0x184: {  	v13 =	vld [tilespmem:s16+$0x50]  }
0x185: {  	v14 =	vld [tilespmem:s16+$0x60]  }
0x186: {  	v15 =	vld [tilespmem:s16+$0xFFFFFF80]  }
0x187: {  	v0 =	vld.idx.msk [tilespmem:v0+s4+$0x0], $0xffff  }
0x188: {  	v1 =	vld.idx.msk [tilespmem:v1+s4+$0x0], $0xffff  }
0x189: {  	v2 =	vld.idx.msk [tilespmem:v2+s4+$0x0], $0xffff  }
0x18a: {  	v3 =	vld.idx.msk [tilespmem:v3+s4+$0x0], $0xffff  }
0x18b: {  	v4 =	vld.idx.msk [tilespmem:v4+s4+$0x0], $0xffff  }
0x18c: {  	s5 =	simm.s32 $0x1C780;
	v5 =	vld.idx.msk [tilespmem:v5+s4+$0x0], $0xffff  }
0x18d: {  	v6 =	vld.idx.msk [tilespmem:v6+s4+$0x0], $0xffff;
	[tilespmem:s5+$0x70] =	vst v0  }
0x18e: {  	v7 =	vld.idx.msk [tilespmem:v7+s4+$0x0], $0xffff;
	[tilespmem:s5+$0xFFFFFF90] =	vst v1  }
0x18f: {  	v15 =	vld.idx.msk [tilespmem:v15+s4+$0x0], $0xffff;
	[tilespmem:s5+$0xFFFFFFA0] =	vst v2  }
0x190: {  	v8 =	vld.idx.msk [tilespmem:v8+s4+$0x0], $0xffff;
	[tilespmem:s5+$0xFFFFFFB0] =	vst v3  }
0x191: {  	[tilespmem:s5+$0xFFFFFFC0] =	vst v4;
	v0 =	vld.idx.msk [tilespmem:v9+s4+$0x0], $0xffff  }
0x192: {  	[tilespmem:s5+$0xFFFFFFD0] =	vst v5;
	v1 =	vld.idx.msk [tilespmem:v10+s4+$0x0], $0xffff  }
0x193: {  	[tilespmem:s5+$0xFFFFFFE0] =	vst v6;
	v2 =	vld.idx.msk [tilespmem:v11+s4+$0x0], $0xffff  }
0x194: {  	[tilespmem:s5+$0xFFFFFFF0] =	vst v7;
	v3 =	vld.idx.msk [tilespmem:v12+s4+$0x0], $0xffff  }
0x195: {  	[tilespmem:s5+$0xFFFFFF80] =	vst v15;
	v4 =	vld.idx.msk [tilespmem:v13+s4+$0x0], $0xffff  }
0x196: {  	s9 =	simm.s32 $0x0;
	s11 =	simm.s32 $0x19880;
	[tilespmem:s5+$0x0] =	vst v8;
	v5 =	vld.idx.msk [tilespmem:v14+s4+$0x0], $0xffff  }
.LBB2_12:
0x197: {  	v6 =	vld [tilespmem:s11+$0x70];
	s9 =	sadd.s32 $0x10, s9;
	[tilespmem:s5+$0x10] =	vst v0  }
0x198: {  	v0 =	vld [tilespmem:s11+$0xFFFFFF90];
	p0 =	slt.u32 s9, $0xF0;
	[tilespmem:s5+$0x20] =	vst v1  }
0x199: {  	v1 =	vld [tilespmem:s11+$0xFFFFFFA0];
	[tilespmem:s5+$0x30] =	vst v2  }
0x19a: {  	v2 =	vld [tilespmem:s11+$0xFFFFFFB0];
	[tilespmem:s5+$0x40] =	vst v3  }
0x19b: {  	v3 =	vld [tilespmem:s11+$0xFFFFFFC0];
	[tilespmem:s5+$0x50] =	vst v4  }
0x19c: {  	v4 =	vld [tilespmem:s11+$0xFFFFFFD0];
	[tilespmem:s5+$0x60] =	vst v5  }
0x19d: {  	v5 =	vld [tilespmem:s11+$0xFFFFFFE0]  }
0x19e: {  	v7 =	vld [tilespmem:s11+$0xFFFFFFF0]  }
0x19f: {  	v6 =	vld.idx.msk [tilespmem:v6+s4+$0x0], $0xffff  }
0x1a0: {  	v8 =	vld [tilespmem:s11+$0x0]  }
0x1a1: {  	v9 =	vld [tilespmem:s11+$0x10]  }
0x1a2: {  	v10 =	vld [tilespmem:s11+$0x20]  }
0x1a3: {  	v11 =	vld [tilespmem:s11+$0x30]  }
0x1a4: {  	s5 =	sadd.s32 $0x100, s5;
	v12 =	vld [tilespmem:s11+$0x40]  }
0x1a5: {  	v13 =	vld [tilespmem:s11+$0x50];
	[tilespmem:s5+$0x70] =	vst v6  }
0x1a6: {  	v6 =	vld [tilespmem:s11+$0x60]  }
0x1a7: {  	v14 =	vld [tilespmem:s11+$0xFFFFFF80]  }
0x1a8: {  	v0 =	vld.idx.msk [tilespmem:v0+s4+$0x0], $0xffff  }
0x1a9: {  	v1 =	vld.idx.msk [tilespmem:v1+s4+$0x0], $0xffff  }
0x1aa: {  	v2 =	vld.idx.msk [tilespmem:v2+s4+$0x0], $0xffff  }
0x1ab: {  	v3 =	vld.idx.msk [tilespmem:v3+s4+$0x0], $0xffff  }
0x1ac: {  	v4 =	vld.idx.msk [tilespmem:v4+s4+$0x0], $0xffff  }
0x1ad: {  	v5 =	vld.idx.msk [tilespmem:v5+s4+$0x0], $0xffff  }
0x1ae: {  	[tilespmem:s5+$0xFFFFFF90] =	vst v0;
	v7 =	vld.idx.msk [tilespmem:v7+s4+$0x0], $0xffff  }
0x1af: {  	v14 =	vld.idx.msk [tilespmem:v14+s4+$0x0], $0xffff;
	[tilespmem:s5+$0xFFFFFFA0] =	vst v1  }
0x1b0: {  	[tilespmem:s5+$0xFFFFFFB0] =	vst v2;
	v8 =	vld.idx.msk [tilespmem:v8+s4+$0x0], $0xffff  }
0x1b1: {  	[tilespmem:s5+$0xFFFFFFC0] =	vst v3;
	v0 =	vld.idx.msk [tilespmem:v9+s4+$0x0], $0xffff  }
.Ltmp5:
0x1b2: {  	[tilespmem:s5+$0xFFFFFFD0] =	vst v4;
	v1 =	vld.idx.msk [tilespmem:v10+s4+$0x0], $0xffff;
	(pc) =	sbr.rel @p0 .LBB2_12-.Ltmp5, $4  }
0x1b3: {  	[tilespmem:s5+$0xFFFFFFE0] =	vst v5;
	v2 =	vld.idx.msk [tilespmem:v11+s4+$0x0], $0xffff  }
0x1b4: {  	[tilespmem:s5+$0xFFFFFFF0] =	vst v7;
	v3 =	vld.idx.msk [tilespmem:v12+s4+$0x0], $0xffff  }
0x1b5: {  	[tilespmem:s5+$0xFFFFFF80] =	vst v14;
	v4 =	vld.idx.msk [tilespmem:v13+s4+$0x0], $0xffff  }
0x1b6: {  	s11 =	sadd.s32 $0x100, s11;
	[tilespmem:s5+$0x0] =	vst v8;
	v5 =	vld.idx.msk [tilespmem:v6+s4+$0x0], $0xffff  }
0x1b7: {  	[tilespmem:s5+$0x10] =	vst v0  }
0x1b8: {  	[tilespmem:s5+$0x20] =	vst v1  }
0x1b9: {  	[tilespmem:s5+$0x30] =	vst v2  }
0x1ba: {  	[tilespmem:s5+$0x40] =	vst v3  }
0x1bb: {  	[tilespmem:s5+$0x50] =	vst v4  }
0x1bc: {  	[tilespmem:s5+$0x60] =	vst v5  }
0x1bd: {  	[bflag:$0x0] =	sbarrier.arrive $0xFFFF  }
0x1be: {  	s16 =	rddreg [dreg:$0x6]  }
0x1bf: {  	[hbm4b:s16+s17] =	stream.strided.scatter [tilespmem:s26], [sflag:$0x5], $0x1000, s18, s17, $0x38;
	[tilespmem:$0x1E700] =	vst v63  }
0x1c0: {  	_ =	swait.ge [sflag:s3], $0x1000  }
0x1c1: {  	[sflag:s3] =	ssyncset.done $0x0  }
0x1c2: {  	[sflag:s3] =	ssyncadd.s32 $0xFFFFF000  }
0x1c3: {  	_ =	swait.ge [sflag:s30], $0x1000  }
0x1c4: {  	[sflag:s30] =	ssyncset.done $0x0  }
0x1c5: {  	[sflag:s30] =	ssyncadd.s32 $0xFFFFF000  }
0x1c6: {  	_ =	swait.ge [sflag:s31], $0x1000  }
0x1c7: {  	[sflag:s31] =	ssyncset.done $0x0  }
0x1c8: {  	s5 =	simm.s32 $0x0;
	s9 =	rddreg [dreg:$0x7];
	[sflag:s31] =	ssyncadd.s32 $0xFFFFF000  }
0x1c9: {  	[tilespmem:s5], [sflag:$0x7] =	stream.strided.gather [hbm4b:s9+s17], $0x18700, s18, s17, $0x38;
	[tilespmem:$0x1E700] =	vst v63  }
0x1ca: {  	_ =	swait.ge [sflag:s19], $0x18700  }
0x1cb: {  	[sflag:s19] =	ssyncset.done $0x0  }
0x1cc: {  	[sflag:s19] =	ssyncadd.s32 $0xFFFE7900  }
0x1cd: {  	[tilespmem:s20], [sflag:$0x1] =	stream.strided.gather [hbm4b:s1+s17], $0x1000, s18, s17, $0x38;
	[tilespmem:$0x1E700] =	vst v63  }
0x1ce: {  	_ = 	snop  }
0x1cf: {  	[tilespmem:s21], [sflag:$0x2] =	stream.strided.gather [hbm4b:s6+s17], $0x1000, s18, s17, $0x38;
	[tilespmem:$0x1E700] =	vst v63  }
.LBB2_14:
0x1d0: {  	s11 =	smul.u32 $0x3, s5;
	_ =	sdelay $0x1  }
0x1d1: {  	s9 =	sadd.s32 $0x2, s11  }
0x1d2: {  	s12 =	sshll.u32 s9, $0x4  }
0x1d3: {  	s14 =	sshll.u32 s9, $0x9;
	s12 =	sand.u32 $0x70, s12  }
0x1d4: {  	s14 =	sand.u32 $0x7F000, s14;
	s12 =	sadd.s32 s1, s12  }
0x1d5: {  	p0 =	seq.s32 s5, $0x0;
	s12 =	sadd.s32 s14, s12  }
0x1d6: {  	[tilespmem:s22], [sflag:$0x3] =	stream.strided.gather [hbm4b:s12+s17], $0x1000, s18, s17, $0x38;
	[tilespmem:$0x1E700] =	vst v63  }
0x1d7: {  	s12 =	simm.s32 @!p0 $0x4  }
0x1d8: {  	_ =	swait.ge @!p0 [sflag:s12], $0x1000  }
0x1d9: {  	[sflag:s12] =	ssyncset.done @!p0 $0x0  }
0x1da: {  	[sflag:s12] =	ssyncadd.s32 @!p0 $0xFFFFF000  }
0x1db: {  	_ =	swait.ge [sflag:s23], $0x1000  }
0x1dc: {  	[sflag:s23] =	ssyncset.done $0x0  }
0x1dd: {  	[sflag:s23] =	ssyncadd.s32 $0xFFFFF000  }
0x1de: {  	s16 =	simm.s32 $0x18780;
	[bflag:$0x0] =	sbarrier.arrive $0xFFFF  }
0x1df: {  	v0 =	vld [tilespmem:s16+$0x70]  }
0x1e0: {  	v1 =	vld [tilespmem:s16+$0xFFFFFF90]  }
0x1e1: {  	v2 =	vld [tilespmem:s16+$0xFFFFFFA0]  }
0x1e2: {  	v3 =	vld [tilespmem:s16+$0xFFFFFFB0]  }
0x1e3: {  	v4 =	vld [tilespmem:s16+$0xFFFFFFC0]  }
0x1e4: {  	v5 =	vld [tilespmem:s16+$0xFFFFFFD0]  }
0x1e5: {  	v6 =	vld [tilespmem:s16+$0xFFFFFFE0]  }
0x1e6: {  	v7 =	vld [tilespmem:s16+$0xFFFFFFF0]  }
0x1e7: {  	v8 =	vld [tilespmem:s16+$0x0]  }
0x1e8: {  	v9 =	vld [tilespmem:s16+$0x10]  }
0x1e9: {  	v10 =	vld [tilespmem:s16+$0x20]  }
0x1ea: {  	v11 =	vld [tilespmem:s16+$0x30]  }
0x1eb: {  	v12 =	vld [tilespmem:s16+$0x40]  }
0x1ec: {  	v13 =	vld [tilespmem:s16+$0x50]  }
0x1ed: {  	v14 =	vld [tilespmem:s16+$0x60]  }
0x1ee: {  	v15 =	vld [tilespmem:s16+$0xFFFFFF80]  }
0x1ef: {  	v0 =	vld.idx.msk [tilespmem:v0+s4+$0x0], $0xffff  }
0x1f0: {  	v1 =	vld.idx.msk [tilespmem:v1+s4+$0x0], $0xffff  }
0x1f1: {  	v2 =	vld.idx.msk [tilespmem:v2+s4+$0x0], $0xffff  }
0x1f2: {  	v3 =	vld.idx.msk [tilespmem:v3+s4+$0x0], $0xffff  }
0x1f3: {  	v4 =	vld.idx.msk [tilespmem:v4+s4+$0x0], $0xffff  }
0x1f4: {  	s14 =	simm.s32 $0x1B780;
	v5 =	vld.idx.msk [tilespmem:v5+s4+$0x0], $0xffff  }
0x1f5: {  	v6 =	vld.idx.msk [tilespmem:v6+s4+$0x0], $0xffff;
	[tilespmem:s14+$0x70] =	vst v0  }
0x1f6: {  	v7 =	vld.idx.msk [tilespmem:v7+s4+$0x0], $0xffff;
	[tilespmem:s14+$0xFFFFFF90] =	vst v1  }
0x1f7: {  	v15 =	vld.idx.msk [tilespmem:v15+s4+$0x0], $0xffff;
	[tilespmem:s14+$0xFFFFFFA0] =	vst v2  }
0x1f8: {  	v8 =	vld.idx.msk [tilespmem:v8+s4+$0x0], $0xffff;
	[tilespmem:s14+$0xFFFFFFB0] =	vst v3  }
0x1f9: {  	[tilespmem:s14+$0xFFFFFFC0] =	vst v4;
	v0 =	vld.idx.msk [tilespmem:v9+s4+$0x0], $0xffff  }
0x1fa: {  	[tilespmem:s14+$0xFFFFFFD0] =	vst v5;
	v1 =	vld.idx.msk [tilespmem:v10+s4+$0x0], $0xffff  }
0x1fb: {  	[tilespmem:s14+$0xFFFFFFE0] =	vst v6;
	v2 =	vld.idx.msk [tilespmem:v11+s4+$0x0], $0xffff  }
0x1fc: {  	[tilespmem:s14+$0xFFFFFFF0] =	vst v7;
	v3 =	vld.idx.msk [tilespmem:v12+s4+$0x0], $0xffff  }
0x1fd: {  	[tilespmem:s14+$0xFFFFFF80] =	vst v15;
	v4 =	vld.idx.msk [tilespmem:v13+s4+$0x0], $0xffff  }
0x1fe: {  	s15 =	simm.s32 $0x18880;
	s12 =	simm.s32 $0x0;
	[tilespmem:s14+$0x0] =	vst v8;
	v5 =	vld.idx.msk [tilespmem:v14+s4+$0x0], $0xffff  }
.LBB2_15:
0x1ff: {  	v6 =	vld [tilespmem:s15+$0x70];
	s12 =	sadd.s32 $0x10, s12;
	[tilespmem:s14+$0x10] =	vst v0  }
0x200: {  	v0 =	vld [tilespmem:s15+$0xFFFFFF90];
	p1 =	slt.u32 s12, $0xF0;
	[tilespmem:s14+$0x20] =	vst v1  }
0x201: {  	v1 =	vld [tilespmem:s15+$0xFFFFFFA0];
	[tilespmem:s14+$0x30] =	vst v2  }
0x202: {  	v2 =	vld [tilespmem:s15+$0xFFFFFFB0];
	[tilespmem:s14+$0x40] =	vst v3  }
0x203: {  	v3 =	vld [tilespmem:s15+$0xFFFFFFC0];
	[tilespmem:s14+$0x50] =	vst v4  }
0x204: {  	v4 =	vld [tilespmem:s15+$0xFFFFFFD0];
	[tilespmem:s14+$0x60] =	vst v5  }
0x205: {  	v5 =	vld [tilespmem:s15+$0xFFFFFFE0]  }
0x206: {  	v7 =	vld [tilespmem:s15+$0xFFFFFFF0]  }
0x207: {  	v6 =	vld.idx.msk [tilespmem:v6+s4+$0x0], $0xffff  }
0x208: {  	v8 =	vld [tilespmem:s15+$0x0]  }
0x209: {  	v9 =	vld [tilespmem:s15+$0x10]  }
0x20a: {  	v10 =	vld [tilespmem:s15+$0x20]  }
0x20b: {  	v11 =	vld [tilespmem:s15+$0x30]  }
0x20c: {  	s14 =	sadd.s32 $0x100, s14;
	v12 =	vld [tilespmem:s15+$0x40]  }
0x20d: {  	v13 =	vld [tilespmem:s15+$0x50];
	[tilespmem:s14+$0x70] =	vst v6  }
0x20e: {  	v6 =	vld [tilespmem:s15+$0x60]  }
0x20f: {  	v14 =	vld [tilespmem:s15+$0xFFFFFF80]  }
0x210: {  	v0 =	vld.idx.msk [tilespmem:v0+s4+$0x0], $0xffff  }
0x211: {  	v1 =	vld.idx.msk [tilespmem:v1+s4+$0x0], $0xffff  }
0x212: {  	v2 =	vld.idx.msk [tilespmem:v2+s4+$0x0], $0xffff  }
0x213: {  	v3 =	vld.idx.msk [tilespmem:v3+s4+$0x0], $0xffff  }
0x214: {  	v4 =	vld.idx.msk [tilespmem:v4+s4+$0x0], $0xffff  }
0x215: {  	v5 =	vld.idx.msk [tilespmem:v5+s4+$0x0], $0xffff  }
0x216: {  	[tilespmem:s14+$0xFFFFFF90] =	vst v0;
	v7 =	vld.idx.msk [tilespmem:v7+s4+$0x0], $0xffff  }
0x217: {  	v14 =	vld.idx.msk [tilespmem:v14+s4+$0x0], $0xffff;
	[tilespmem:s14+$0xFFFFFFA0] =	vst v1  }
0x218: {  	[tilespmem:s14+$0xFFFFFFB0] =	vst v2;
	v8 =	vld.idx.msk [tilespmem:v8+s4+$0x0], $0xffff  }
0x219: {  	[tilespmem:s14+$0xFFFFFFC0] =	vst v3;
	v0 =	vld.idx.msk [tilespmem:v9+s4+$0x0], $0xffff  }
.Ltmp6:
0x21a: {  	[tilespmem:s14+$0xFFFFFFD0] =	vst v4;
	v1 =	vld.idx.msk [tilespmem:v10+s4+$0x0], $0xffff;
	(pc) =	sbr.rel @p1 .LBB2_15-.Ltmp6, $4  }
0x21b: {  	[tilespmem:s14+$0xFFFFFFE0] =	vst v5;
	v2 =	vld.idx.msk [tilespmem:v11+s4+$0x0], $0xffff  }
0x21c: {  	[tilespmem:s14+$0xFFFFFFF0] =	vst v7;
	v3 =	vld.idx.msk [tilespmem:v12+s4+$0x0], $0xffff  }
0x21d: {  	[tilespmem:s14+$0xFFFFFF80] =	vst v14;
	v4 =	vld.idx.msk [tilespmem:v13+s4+$0x0], $0xffff  }
0x21e: {  	s15 =	sadd.s32 $0x100, s15;
	[tilespmem:s14+$0x0] =	vst v8;
	v5 =	vld.idx.msk [tilespmem:v6+s4+$0x0], $0xffff  }
0x21f: {  	[tilespmem:s14+$0x10] =	vst v0  }
0x220: {  	[tilespmem:s14+$0x20] =	vst v1  }
0x221: {  	s12 =	smul.u32 $0xC0000, s5;
	[tilespmem:s14+$0x30] =	vst v2  }
0x222: {  	[tilespmem:s14+$0x40] =	vst v3  }
0x223: {  	s15 =	sor.u32 s12, s10;
	[tilespmem:s14+$0x50] =	vst v4  }
0x224: {  	s16 =	sshrl.u32 s15, $0x3;
	s15 =	sadd.s32 $0x3, s11;
	[tilespmem:s14+$0x60] =	vst v5  }
0x225: {  	s14 =	sadd.s32 s2, s16;
	s16 =	sshll.u32 s15, $0x4;
	[bflag:$0x0] =	sbarrier.arrive $0xFFFF  }
0x226: {  	[hbm4b:s14+s17] =	stream.strided.scatter [tilespmem:s24], [sflag:$0x4], $0x1000, s18, s17, $0x38;
	[tilespmem:$0x1E700] =	vst v63  }
0x227: {  	s14 =	sshll.u32 s15, $0x9;
	s15 =	sand.u32 $0x70, s16  }
0x228: {  	s14 =	sand.u32 $0x7F000, s14;
	s15 =	sadd.s32 s1, s15  }
0x229: {  	s14 =	sadd.s32 s14, s15  }
0x22a: {  	[tilespmem:s20], [sflag:$0x1] =	stream.strided.gather [hbm4b:s14+s17], $0x1000, s18, s17, $0x38;
	[tilespmem:$0x1E700] =	vst v63  }
0x22b: {  	s14 =	simm.s32 @!p0 $0x5  }
0x22c: {  	_ =	swait.ge @!p0 [sflag:s14], $0x1000  }
0x22d: {  	[sflag:s14] =	ssyncset.done @!p0 $0x0  }
0x22e: {  	[sflag:s14] =	ssyncadd.s32 @!p0 $0xFFFFF000  }
0x22f: {  	_ =	swait.ge [sflag:s25], $0x1000  }
0x230: {  	[sflag:s25] =	ssyncset.done $0x0  }
0x231: {  	[sflag:s25] =	ssyncadd.s32 $0xFFFFF000  }
0x232: {  	s16 =	simm.s32 $0x19780;
	[bflag:$0x0] =	sbarrier.arrive $0xFFFF  }
0x233: {  	v0 =	vld [tilespmem:s16+$0x70]  }
0x234: {  	v1 =	vld [tilespmem:s16+$0xFFFFFF90]  }
0x235: {  	v2 =	vld [tilespmem:s16+$0xFFFFFFA0]  }
0x236: {  	v3 =	vld [tilespmem:s16+$0xFFFFFFB0]  }
0x237: {  	v4 =	vld [tilespmem:s16+$0xFFFFFFC0]  }
0x238: {  	v5 =	vld [tilespmem:s16+$0xFFFFFFD0]  }
0x239: {  	v6 =	vld [tilespmem:s16+$0xFFFFFFE0]  }
0x23a: {  	v7 =	vld [tilespmem:s16+$0xFFFFFFF0]  }
0x23b: {  	v8 =	vld [tilespmem:s16+$0x0]  }
0x23c: {  	v9 =	vld [tilespmem:s16+$0x10]  }
0x23d: {  	v10 =	vld [tilespmem:s16+$0x20]  }
0x23e: {  	v11 =	vld [tilespmem:s16+$0x30]  }
0x23f: {  	v12 =	vld [tilespmem:s16+$0x40]  }
0x240: {  	v13 =	vld [tilespmem:s16+$0x50]  }
0x241: {  	v14 =	vld [tilespmem:s16+$0x60]  }
0x242: {  	v15 =	vld [tilespmem:s16+$0xFFFFFF80]  }
0x243: {  	v0 =	vld.idx.msk [tilespmem:v0+s4+$0x0], $0xffff  }
0x244: {  	v1 =	vld.idx.msk [tilespmem:v1+s4+$0x0], $0xffff  }
0x245: {  	v2 =	vld.idx.msk [tilespmem:v2+s4+$0x0], $0xffff  }
0x246: {  	v3 =	vld.idx.msk [tilespmem:v3+s4+$0x0], $0xffff  }
0x247: {  	v4 =	vld.idx.msk [tilespmem:v4+s4+$0x0], $0xffff  }
0x248: {  	s14 =	simm.s32 $0x1C780;
	v5 =	vld.idx.msk [tilespmem:v5+s4+$0x0], $0xffff  }
0x249: {  	v6 =	vld.idx.msk [tilespmem:v6+s4+$0x0], $0xffff;
	[tilespmem:s14+$0x70] =	vst v0  }
0x24a: {  	v7 =	vld.idx.msk [tilespmem:v7+s4+$0x0], $0xffff;
	[tilespmem:s14+$0xFFFFFF90] =	vst v1  }
0x24b: {  	v15 =	vld.idx.msk [tilespmem:v15+s4+$0x0], $0xffff;
	[tilespmem:s14+$0xFFFFFFA0] =	vst v2  }
0x24c: {  	v8 =	vld.idx.msk [tilespmem:v8+s4+$0x0], $0xffff;
	[tilespmem:s14+$0xFFFFFFB0] =	vst v3  }
0x24d: {  	[tilespmem:s14+$0xFFFFFFC0] =	vst v4;
	v0 =	vld.idx.msk [tilespmem:v9+s4+$0x0], $0xffff  }
0x24e: {  	[tilespmem:s14+$0xFFFFFFD0] =	vst v5;
	v1 =	vld.idx.msk [tilespmem:v10+s4+$0x0], $0xffff  }
0x24f: {  	[tilespmem:s14+$0xFFFFFFE0] =	vst v6;
	v2 =	vld.idx.msk [tilespmem:v11+s4+$0x0], $0xffff  }
0x250: {  	[tilespmem:s14+$0xFFFFFFF0] =	vst v7;
	v3 =	vld.idx.msk [tilespmem:v12+s4+$0x0], $0xffff  }
0x251: {  	[tilespmem:s14+$0xFFFFFF80] =	vst v15;
	v4 =	vld.idx.msk [tilespmem:v13+s4+$0x0], $0xffff  }
0x252: {  	s15 =	simm.s32 $0x0;
	s16 =	simm.s32 $0x19880;
	[tilespmem:s14+$0x0] =	vst v8;
	v5 =	vld.idx.msk [tilespmem:v14+s4+$0x0], $0xffff  }
.LBB2_17:
0x253: {  	v6 =	vld [tilespmem:s16+$0x70];
	s15 =	sadd.s32 $0x10, s15;
	[tilespmem:s14+$0x10] =	vst v0  }
0x254: {  	v0 =	vld [tilespmem:s16+$0xFFFFFF90];
	p1 =	slt.u32 s15, $0xF0;
	[tilespmem:s14+$0x20] =	vst v1  }
0x255: {  	v1 =	vld [tilespmem:s16+$0xFFFFFFA0];
	[tilespmem:s14+$0x30] =	vst v2  }
0x256: {  	v2 =	vld [tilespmem:s16+$0xFFFFFFB0];
	[tilespmem:s14+$0x40] =	vst v3  }
0x257: {  	v3 =	vld [tilespmem:s16+$0xFFFFFFC0];
	[tilespmem:s14+$0x50] =	vst v4  }
0x258: {  	v4 =	vld [tilespmem:s16+$0xFFFFFFD0];
	[tilespmem:s14+$0x60] =	vst v5  }
0x259: {  	v5 =	vld [tilespmem:s16+$0xFFFFFFE0]  }
0x25a: {  	v7 =	vld [tilespmem:s16+$0xFFFFFFF0]  }
0x25b: {  	v6 =	vld.idx.msk [tilespmem:v6+s4+$0x0], $0xffff  }
0x25c: {  	v8 =	vld [tilespmem:s16+$0x0]  }
0x25d: {  	v9 =	vld [tilespmem:s16+$0x10]  }
0x25e: {  	v10 =	vld [tilespmem:s16+$0x20]  }
0x25f: {  	v11 =	vld [tilespmem:s16+$0x30]  }
0x260: {  	s14 =	sadd.s32 $0x100, s14;
	v12 =	vld [tilespmem:s16+$0x40]  }
0x261: {  	v13 =	vld [tilespmem:s16+$0x50];
	[tilespmem:s14+$0x70] =	vst v6  }
0x262: {  	v6 =	vld [tilespmem:s16+$0x60]  }
0x263: {  	v14 =	vld [tilespmem:s16+$0xFFFFFF80]  }
0x264: {  	v0 =	vld.idx.msk [tilespmem:v0+s4+$0x0], $0xffff  }
0x265: {  	v1 =	vld.idx.msk [tilespmem:v1+s4+$0x0], $0xffff  }
0x266: {  	v2 =	vld.idx.msk [tilespmem:v2+s4+$0x0], $0xffff  }
0x267: {  	v3 =	vld.idx.msk [tilespmem:v3+s4+$0x0], $0xffff  }
0x268: {  	v4 =	vld.idx.msk [tilespmem:v4+s4+$0x0], $0xffff  }
0x269: {  	v5 =	vld.idx.msk [tilespmem:v5+s4+$0x0], $0xffff  }
0x26a: {  	[tilespmem:s14+$0xFFFFFF90] =	vst v0;
	v7 =	vld.idx.msk [tilespmem:v7+s4+$0x0], $0xffff  }
0x26b: {  	v14 =	vld.idx.msk [tilespmem:v14+s4+$0x0], $0xffff;
	[tilespmem:s14+$0xFFFFFFA0] =	vst v1  }
0x26c: {  	[tilespmem:s14+$0xFFFFFFB0] =	vst v2;
	v8 =	vld.idx.msk [tilespmem:v8+s4+$0x0], $0xffff  }
0x26d: {  	[tilespmem:s14+$0xFFFFFFC0] =	vst v3;
	v0 =	vld.idx.msk [tilespmem:v9+s4+$0x0], $0xffff  }
.Ltmp7:
0x26e: {  	[tilespmem:s14+$0xFFFFFFD0] =	vst v4;
	v1 =	vld.idx.msk [tilespmem:v10+s4+$0x0], $0xffff;
	(pc) =	sbr.rel @p1 .LBB2_17-.Ltmp7, $4  }
0x26f: {  	[tilespmem:s14+$0xFFFFFFE0] =	vst v5;
	v2 =	vld.idx.msk [tilespmem:v11+s4+$0x0], $0xffff  }
0x270: {  	[tilespmem:s14+$0xFFFFFFF0] =	vst v7;
	v3 =	vld.idx.msk [tilespmem:v12+s4+$0x0], $0xffff  }
0x271: {  	[tilespmem:s14+$0xFFFFFF80] =	vst v14;
	v4 =	vld.idx.msk [tilespmem:v13+s4+$0x0], $0xffff  }
0x272: {  	s16 =	sadd.s32 $0x100, s16;
	[tilespmem:s14+$0x0] =	vst v8;
	v5 =	vld.idx.msk [tilespmem:v6+s4+$0x0], $0xffff  }
0x273: {  	[tilespmem:s14+$0x10] =	vst v0  }
0x274: {  	[tilespmem:s14+$0x20] =	vst v1  }
0x275: {  	[tilespmem:s14+$0x30] =	vst v2  }
0x276: {  	[tilespmem:s14+$0x40] =	vst v3  }
0x277: {  	s12 =	sadd.s32 s13, s12;
	[tilespmem:s14+$0x50] =	vst v4  }
0x278: {  	s11 =	sadd.s32 $0x4, s11;
	s12 =	sshrl.u32 s12, $0x3;
	[tilespmem:s14+$0x60] =	vst v5  }
0x279: {  	s15 =	sshll.u32 s11, $0x4;
	s12 =	sadd.s32 s2, s12;
	[bflag:$0x0] =	sbarrier.arrive $0xFFFF  }
0x27a: {  	[hbm4b:s12+s17] =	stream.strided.scatter [tilespmem:s26], [sflag:$0x5], $0x1000, s18, s17, $0x38;
	[tilespmem:$0x1E700] =	vst v63  }
0x27b: {  	s11 =	sshll.u32 s11, $0x9;
	s12 =	sand.u32 $0x70, s15  }
0x27c: {  	s11 =	sand.u32 $0x7F000, s11;
	s12 =	sadd.s32 s1, s12  }
0x27d: {  	s11 =	sadd.s32 s11, s12  }
0x27e: {  	[tilespmem:s21], [sflag:$0x2] =	stream.strided.gather [hbm4b:s11+s17], $0x1000, s18, s17, $0x38;
	[tilespmem:$0x1E700] =	vst v63  }
0x27f: {  	s11 =	simm.s32 @!p0 $0x6  }
0x280: {  	_ =	swait.ge @!p0 [sflag:s11], $0x1000  }
0x281: {  	[sflag:s11] =	ssyncset.done @!p0 $0x0  }
0x282: {  	[sflag:s11] =	ssyncadd.s32 @!p0 $0xFFFFF000  }
0x283: {  	_ =	swait.ge [sflag:s28], $0x1000  }
0x284: {  	[sflag:s28] =	ssyncset.done $0x0  }
0x285: {  	[sflag:s28] =	ssyncadd.s32 $0xFFFFF000  }
0x286: {  	s16 =	simm.s32 $0x1A780;
	[bflag:$0x0] =	sbarrier.arrive $0xFFFF  }
0x287: {  	v0 =	vld [tilespmem:s16+$0x70]  }
0x288: {  	v1 =	vld [tilespmem:s16+$0xFFFFFF90]  }
0x289: {  	v2 =	vld [tilespmem:s16+$0xFFFFFFA0]  }
0x28a: {  	v3 =	vld [tilespmem:s16+$0xFFFFFFB0]  }
0x28b: {  	v4 =	vld [tilespmem:s16+$0xFFFFFFC0]  }
0x28c: {  	v5 =	vld [tilespmem:s16+$0xFFFFFFD0]  }
0x28d: {  	v6 =	vld [tilespmem:s16+$0xFFFFFFE0]  }
0x28e: {  	v7 =	vld [tilespmem:s16+$0xFFFFFFF0]  }
0x28f: {  	v8 =	vld [tilespmem:s16+$0x0]  }
0x290: {  	v9 =	vld [tilespmem:s16+$0x10]  }
0x291: {  	v10 =	vld [tilespmem:s16+$0x20]  }
0x292: {  	v11 =	vld [tilespmem:s16+$0x30]  }
0x293: {  	v12 =	vld [tilespmem:s16+$0x40]  }
0x294: {  	v13 =	vld [tilespmem:s16+$0x50]  }
0x295: {  	v14 =	vld [tilespmem:s16+$0x60]  }
0x296: {  	v15 =	vld [tilespmem:s16+$0xFFFFFF80]  }
0x297: {  	v0 =	vld.idx.msk [tilespmem:v0+s4+$0x0], $0xffff  }
0x298: {  	v1 =	vld.idx.msk [tilespmem:v1+s4+$0x0], $0xffff  }
0x299: {  	v2 =	vld.idx.msk [tilespmem:v2+s4+$0x0], $0xffff  }
0x29a: {  	v3 =	vld.idx.msk [tilespmem:v3+s4+$0x0], $0xffff  }
0x29b: {  	v4 =	vld.idx.msk [tilespmem:v4+s4+$0x0], $0xffff  }
0x29c: {  	s11 =	simm.s32 $0x1D780;
	v5 =	vld.idx.msk [tilespmem:v5+s4+$0x0], $0xffff  }
0x29d: {  	v6 =	vld.idx.msk [tilespmem:v6+s4+$0x0], $0xffff;
	[tilespmem:s11+$0x70] =	vst v0  }
0x29e: {  	v7 =	vld.idx.msk [tilespmem:v7+s4+$0x0], $0xffff;
	[tilespmem:s11+$0xFFFFFF90] =	vst v1  }
0x29f: {  	v15 =	vld.idx.msk [tilespmem:v15+s4+$0x0], $0xffff;
	[tilespmem:s11+$0xFFFFFFA0] =	vst v2  }
0x2a0: {  	v8 =	vld.idx.msk [tilespmem:v8+s4+$0x0], $0xffff;
	[tilespmem:s11+$0xFFFFFFB0] =	vst v3  }
0x2a1: {  	[tilespmem:s11+$0xFFFFFFC0] =	vst v4;
	v0 =	vld.idx.msk [tilespmem:v9+s4+$0x0], $0xffff  }
0x2a2: {  	[tilespmem:s11+$0xFFFFFFD0] =	vst v5;
	v1 =	vld.idx.msk [tilespmem:v10+s4+$0x0], $0xffff  }
0x2a3: {  	[tilespmem:s11+$0xFFFFFFE0] =	vst v6;
	v2 =	vld.idx.msk [tilespmem:v11+s4+$0x0], $0xffff  }
0x2a4: {  	[tilespmem:s11+$0xFFFFFFF0] =	vst v7;
	v3 =	vld.idx.msk [tilespmem:v12+s4+$0x0], $0xffff  }
0x2a5: {  	[tilespmem:s11+$0xFFFFFF80] =	vst v15;
	v4 =	vld.idx.msk [tilespmem:v13+s4+$0x0], $0xffff  }
0x2a6: {  	s14 =	simm.s32 $0x1A880;
	s12 =	simm.s32 $0x0;
	[tilespmem:s11+$0x0] =	vst v8;
	v5 =	vld.idx.msk [tilespmem:v14+s4+$0x0], $0xffff  }
.LBB2_19:
0x2a7: {  	v6 =	vld [tilespmem:s14+$0x70];
	s12 =	sadd.s32 $0x10, s12;
	[tilespmem:s11+$0x10] =	vst v0  }
0x2a8: {  	v0 =	vld [tilespmem:s14+$0xFFFFFF90];
	p0 =	slt.u32 s12, $0xF0;
	[tilespmem:s11+$0x20] =	vst v1  }
0x2a9: {  	v1 =	vld [tilespmem:s14+$0xFFFFFFA0];
	[tilespmem:s11+$0x30] =	vst v2  }
0x2aa: {  	v2 =	vld [tilespmem:s14+$0xFFFFFFB0];
	[tilespmem:s11+$0x40] =	vst v3  }
0x2ab: {  	v3 =	vld [tilespmem:s14+$0xFFFFFFC0];
	[tilespmem:s11+$0x50] =	vst v4  }
0x2ac: {  	v4 =	vld [tilespmem:s14+$0xFFFFFFD0];
	[tilespmem:s11+$0x60] =	vst v5  }
0x2ad: {  	v5 =	vld [tilespmem:s14+$0xFFFFFFE0]  }
0x2ae: {  	v7 =	vld [tilespmem:s14+$0xFFFFFFF0]  }
0x2af: {  	v6 =	vld.idx.msk [tilespmem:v6+s4+$0x0], $0xffff  }
0x2b0: {  	v8 =	vld [tilespmem:s14+$0x0]  }
0x2b1: {  	v9 =	vld [tilespmem:s14+$0x10]  }
0x2b2: {  	v10 =	vld [tilespmem:s14+$0x20]  }
0x2b3: {  	v11 =	vld [tilespmem:s14+$0x30]  }
0x2b4: {  	s11 =	sadd.s32 $0x100, s11;
	v12 =	vld [tilespmem:s14+$0x40]  }
0x2b5: {  	v13 =	vld [tilespmem:s14+$0x50];
	[tilespmem:s11+$0x70] =	vst v6  }
0x2b6: {  	v6 =	vld [tilespmem:s14+$0x60]  }
0x2b7: {  	v14 =	vld [tilespmem:s14+$0xFFFFFF80]  }
0x2b8: {  	v0 =	vld.idx.msk [tilespmem:v0+s4+$0x0], $0xffff  }
0x2b9: {  	v1 =	vld.idx.msk [tilespmem:v1+s4+$0x0], $0xffff  }
0x2ba: {  	v2 =	vld.idx.msk [tilespmem:v2+s4+$0x0], $0xffff  }
0x2bb: {  	v3 =	vld.idx.msk [tilespmem:v3+s4+$0x0], $0xffff  }
0x2bc: {  	v4 =	vld.idx.msk [tilespmem:v4+s4+$0x0], $0xffff  }
0x2bd: {  	v5 =	vld.idx.msk [tilespmem:v5+s4+$0x0], $0xffff  }
0x2be: {  	[tilespmem:s11+$0xFFFFFF90] =	vst v0;
	v7 =	vld.idx.msk [tilespmem:v7+s4+$0x0], $0xffff  }
0x2bf: {  	v14 =	vld.idx.msk [tilespmem:v14+s4+$0x0], $0xffff;
	[tilespmem:s11+$0xFFFFFFA0] =	vst v1  }
0x2c0: {  	[tilespmem:s11+$0xFFFFFFB0] =	vst v2;
	v8 =	vld.idx.msk [tilespmem:v8+s4+$0x0], $0xffff  }
0x2c1: {  	[tilespmem:s11+$0xFFFFFFC0] =	vst v3;
	v0 =	vld.idx.msk [tilespmem:v9+s4+$0x0], $0xffff  }
.Ltmp8:
0x2c2: {  	[tilespmem:s11+$0xFFFFFFD0] =	vst v4;
	v1 =	vld.idx.msk [tilespmem:v10+s4+$0x0], $0xffff;
	(pc) =	sbr.rel @p0 .LBB2_19-.Ltmp8, $4  }
0x2c3: {  	[tilespmem:s11+$0xFFFFFFE0] =	vst v5;
	v2 =	vld.idx.msk [tilespmem:v11+s4+$0x0], $0xffff  }
0x2c4: {  	[tilespmem:s11+$0xFFFFFFF0] =	vst v7;
	v3 =	vld.idx.msk [tilespmem:v12+s4+$0x0], $0xffff  }
0x2c5: {  	[tilespmem:s11+$0xFFFFFF80] =	vst v14;
	v4 =	vld.idx.msk [tilespmem:v13+s4+$0x0], $0xffff  }
0x2c6: {  	s14 =	sadd.s32 $0x100, s14;
	[tilespmem:s11+$0x0] =	vst v8;
	v5 =	vld.idx.msk [tilespmem:v6+s4+$0x0], $0xffff  }
0x2c7: {  	[tilespmem:s11+$0x10] =	vst v0  }
0x2c8: {  	[tilespmem:s11+$0x20] =	vst v1;
	s5 =	sadd.s32 $0x1, s5  }
0x2c9: {  	[tilespmem:s11+$0x30] =	vst v2;
	p0 =	sne.s32 s5, $0x42  }
.Ltmp9:
0x2ca: {  	s9 =	sshll.u32 s9, $0x12;
	[tilespmem:s11+$0x40] =	vst v3;
	(pc) =	sbr.rel @p0 .LBB2_14-.Ltmp9, $4  }
0x2cb: {  	s9 =	sor.u32 s10, s9;
	[tilespmem:s11+$0x50] =	vst v4  }
0x2cc: {  	s9 =	sshrl.u32 s9, $0x3;
	[tilespmem:s11+$0x60] =	vst v5  }
0x2cd: {  	s9 =	sadd.s32 s2, s9;
	[bflag:$0x0] =	sbarrier.arrive $0xFFFF  }
0x2ce: {  	[hbm4b:s9+s17] =	stream.strided.scatter [tilespmem:s29], [sflag:$0x6], $0x1000, s18, s17, $0x38;
	[tilespmem:$0x1E700] =	vst v63  }
0x2cf: {  	_ =	swait.ge [sflag:s30], $0x1000  }
0x2d0: {  	[sflag:s30] =	ssyncset.done $0x0  }
0x2d1: {  	[sflag:s30] =	ssyncadd.s32 $0xFFFFF000  }
0x2d2: {  	_ =	swait.ge [sflag:s23], $0x1000  }
0x2d3: {  	[sflag:s23] =	ssyncset.done $0x0  }
0x2d4: {  	[sflag:s23] =	ssyncadd.s32 $0xFFFFF000  }
0x2d5: {  	s5 =	simm.s32 $0x18780;
	[bflag:$0x0] =	sbarrier.arrive $0xFFFF  }
0x2d6: {  	v0 =	vld [tilespmem:s5+$0x70]  }
0x2d7: {  	v1 =	vld [tilespmem:s5+$0xFFFFFF90]  }
0x2d8: {  	v2 =	vld [tilespmem:s5+$0xFFFFFFA0]  }
0x2d9: {  	v3 =	vld [tilespmem:s5+$0xFFFFFFB0]  }
0x2da: {  	v4 =	vld [tilespmem:s5+$0xFFFFFFC0]  }
0x2db: {  	v5 =	vld [tilespmem:s5+$0xFFFFFFD0]  }
0x2dc: {  	v6 =	vld [tilespmem:s5+$0xFFFFFFE0]  }
0x2dd: {  	v7 =	vld [tilespmem:s5+$0xFFFFFFF0]  }
0x2de: {  	v8 =	vld [tilespmem:s5+$0x0]  }
0x2df: {  	v9 =	vld [tilespmem:s5+$0x10]  }
0x2e0: {  	v10 =	vld [tilespmem:s5+$0x20]  }
0x2e1: {  	v11 =	vld [tilespmem:s5+$0x30]  }
0x2e2: {  	v12 =	vld [tilespmem:s5+$0x40]  }
0x2e3: {  	v13 =	vld [tilespmem:s5+$0x50]  }
0x2e4: {  	v14 =	vld [tilespmem:s5+$0x60]  }
0x2e5: {  	v15 =	vld [tilespmem:s5+$0xFFFFFF80]  }
0x2e6: {  	v0 =	vld.idx.msk [tilespmem:v0+s4+$0x0], $0xffff  }
0x2e7: {  	v1 =	vld.idx.msk [tilespmem:v1+s4+$0x0], $0xffff  }
0x2e8: {  	v2 =	vld.idx.msk [tilespmem:v2+s4+$0x0], $0xffff  }
0x2e9: {  	v3 =	vld.idx.msk [tilespmem:v3+s4+$0x0], $0xffff  }
0x2ea: {  	v4 =	vld.idx.msk [tilespmem:v4+s4+$0x0], $0xffff  }
0x2eb: {  	s5 =	simm.s32 $0x1B780;
	v5 =	vld.idx.msk [tilespmem:v5+s4+$0x0], $0xffff  }
0x2ec: {  	v6 =	vld.idx.msk [tilespmem:v6+s4+$0x0], $0xffff;
	[tilespmem:s5+$0x70] =	vst v0  }
0x2ed: {  	v7 =	vld.idx.msk [tilespmem:v7+s4+$0x0], $0xffff;
	[tilespmem:s5+$0xFFFFFF90] =	vst v1  }
0x2ee: {  	v15 =	vld.idx.msk [tilespmem:v15+s4+$0x0], $0xffff;
	[tilespmem:s5+$0xFFFFFFA0] =	vst v2  }
0x2ef: {  	v8 =	vld.idx.msk [tilespmem:v8+s4+$0x0], $0xffff;
	[tilespmem:s5+$0xFFFFFFB0] =	vst v3  }
0x2f0: {  	[tilespmem:s5+$0xFFFFFFC0] =	vst v4;
	v0 =	vld.idx.msk [tilespmem:v9+s4+$0x0], $0xffff  }
0x2f1: {  	[tilespmem:s5+$0xFFFFFFD0] =	vst v5;
	v1 =	vld.idx.msk [tilespmem:v10+s4+$0x0], $0xffff  }
0x2f2: {  	[tilespmem:s5+$0xFFFFFFE0] =	vst v6;
	v2 =	vld.idx.msk [tilespmem:v11+s4+$0x0], $0xffff  }
0x2f3: {  	[tilespmem:s5+$0xFFFFFFF0] =	vst v7;
	v3 =	vld.idx.msk [tilespmem:v12+s4+$0x0], $0xffff  }
0x2f4: {  	[tilespmem:s5+$0xFFFFFF80] =	vst v15;
	v4 =	vld.idx.msk [tilespmem:v13+s4+$0x0], $0xffff  }
0x2f5: {  	s9 =	simm.s32 $0x0;
	s11 =	simm.s32 $0x18880;
	[tilespmem:s5+$0x0] =	vst v8;
	v5 =	vld.idx.msk [tilespmem:v14+s4+$0x0], $0xffff  }
.LBB2_22:
0x2f6: {  	v6 =	vld [tilespmem:s11+$0x70];
	s9 =	sadd.s32 $0x10, s9;
	[tilespmem:s5+$0x10] =	vst v0  }
0x2f7: {  	v0 =	vld [tilespmem:s11+$0xFFFFFF90];
	p0 =	slt.u32 s9, $0xF0;
	[tilespmem:s5+$0x20] =	vst v1  }
0x2f8: {  	v1 =	vld [tilespmem:s11+$0xFFFFFFA0];
	[tilespmem:s5+$0x30] =	vst v2  }
0x2f9: {  	v2 =	vld [tilespmem:s11+$0xFFFFFFB0];
	[tilespmem:s5+$0x40] =	vst v3  }
0x2fa: {  	v3 =	vld [tilespmem:s11+$0xFFFFFFC0];
	[tilespmem:s5+$0x50] =	vst v4  }
0x2fb: {  	v4 =	vld [tilespmem:s11+$0xFFFFFFD0];
	[tilespmem:s5+$0x60] =	vst v5  }
0x2fc: {  	v5 =	vld [tilespmem:s11+$0xFFFFFFE0]  }
0x2fd: {  	v7 =	vld [tilespmem:s11+$0xFFFFFFF0]  }
0x2fe: {  	v6 =	vld.idx.msk [tilespmem:v6+s4+$0x0], $0xffff  }
0x2ff: {  	v8 =	vld [tilespmem:s11+$0x0]  }
0x300: {  	v9 =	vld [tilespmem:s11+$0x10]  }
0x301: {  	v10 =	vld [tilespmem:s11+$0x20]  }
0x302: {  	v11 =	vld [tilespmem:s11+$0x30]  }
0x303: {  	s5 =	sadd.s32 $0x100, s5;
	v12 =	vld [tilespmem:s11+$0x40]  }
0x304: {  	v13 =	vld [tilespmem:s11+$0x50];
	[tilespmem:s5+$0x70] =	vst v6  }
0x305: {  	v6 =	vld [tilespmem:s11+$0x60]  }
0x306: {  	v14 =	vld [tilespmem:s11+$0xFFFFFF80]  }
0x307: {  	v0 =	vld.idx.msk [tilespmem:v0+s4+$0x0], $0xffff  }
0x308: {  	v1 =	vld.idx.msk [tilespmem:v1+s4+$0x0], $0xffff  }
0x309: {  	v2 =	vld.idx.msk [tilespmem:v2+s4+$0x0], $0xffff  }
0x30a: {  	v3 =	vld.idx.msk [tilespmem:v3+s4+$0x0], $0xffff  }
0x30b: {  	v4 =	vld.idx.msk [tilespmem:v4+s4+$0x0], $0xffff  }
0x30c: {  	v5 =	vld.idx.msk [tilespmem:v5+s4+$0x0], $0xffff  }
0x30d: {  	[tilespmem:s5+$0xFFFFFF90] =	vst v0;
	v7 =	vld.idx.msk [tilespmem:v7+s4+$0x0], $0xffff  }
0x30e: {  	v14 =	vld.idx.msk [tilespmem:v14+s4+$0x0], $0xffff;
	[tilespmem:s5+$0xFFFFFFA0] =	vst v1  }
0x30f: {  	[tilespmem:s5+$0xFFFFFFB0] =	vst v2;
	v8 =	vld.idx.msk [tilespmem:v8+s4+$0x0], $0xffff  }
0x310: {  	[tilespmem:s5+$0xFFFFFFC0] =	vst v3;
	v0 =	vld.idx.msk [tilespmem:v9+s4+$0x0], $0xffff  }
.Ltmp10:
0x311: {  	[tilespmem:s5+$0xFFFFFFD0] =	vst v4;
	v1 =	vld.idx.msk [tilespmem:v10+s4+$0x0], $0xffff;
	(pc) =	sbr.rel @p0 .LBB2_22-.Ltmp10, $4  }
0x312: {  	[tilespmem:s5+$0xFFFFFFE0] =	vst v5;
	v2 =	vld.idx.msk [tilespmem:v11+s4+$0x0], $0xffff  }
0x313: {  	[tilespmem:s5+$0xFFFFFFF0] =	vst v7;
	v3 =	vld.idx.msk [tilespmem:v12+s4+$0x0], $0xffff  }
0x314: {  	[tilespmem:s5+$0xFFFFFF80] =	vst v14;
	v4 =	vld.idx.msk [tilespmem:v13+s4+$0x0], $0xffff  }
0x315: {  	s11 =	sadd.s32 $0x100, s11;
	[tilespmem:s5+$0x0] =	vst v8;
	v5 =	vld.idx.msk [tilespmem:v6+s4+$0x0], $0xffff  }
0x316: {  	[tilespmem:s5+$0x10] =	vst v0  }
0x317: {  	[tilespmem:s5+$0x20] =	vst v1  }
0x318: {  	[tilespmem:s5+$0x30] =	vst v2  }
0x319: {  	[tilespmem:s5+$0x40] =	vst v3  }
0x31a: {  	[tilespmem:s5+$0x50] =	vst v4  }
0x31b: {  	[tilespmem:s5+$0x60] =	vst v5  }
0x31c: {  	[bflag:$0x0] =	sbarrier.arrive $0xFFFF  }
0x31d: {  	s15 =	rddreg [dreg:$0x8]  }
0x31e: {  	[hbm4b:s15+s17] =	stream.strided.scatter [tilespmem:s24], [sflag:$0x4], $0x1000, s18, s17, $0x38;
	[tilespmem:$0x1E700] =	vst v63  }
0x31f: {  	_ =	swait.ge [sflag:s31], $0x1000  }
0x320: {  	[sflag:s31] =	ssyncset.done $0x0  }
0x321: {  	[sflag:s31] =	ssyncadd.s32 $0xFFFFF000  }
0x322: {  	_ =	swait.ge [sflag:s25], $0x1000  }
0x323: {  	[sflag:s25] =	ssyncset.done $0x0  }
0x324: {  	[sflag:s25] =	ssyncadd.s32 $0xFFFFF000  }
0x325: {  	s16 =	simm.s32 $0x19780;
	[bflag:$0x0] =	sbarrier.arrive $0xFFFF  }
0x326: {  	v0 =	vld [tilespmem:s16+$0x70]  }
0x327: {  	v1 =	vld [tilespmem:s16+$0xFFFFFF90]  }
0x328: {  	v2 =	vld [tilespmem:s16+$0xFFFFFFA0]  }
0x329: {  	v3 =	vld [tilespmem:s16+$0xFFFFFFB0]  }
0x32a: {  	v4 =	vld [tilespmem:s16+$0xFFFFFFC0]  }
0x32b: {  	v5 =	vld [tilespmem:s16+$0xFFFFFFD0]  }
0x32c: {  	v6 =	vld [tilespmem:s16+$0xFFFFFFE0]  }
0x32d: {  	v7 =	vld [tilespmem:s16+$0xFFFFFFF0]  }
0x32e: {  	v8 =	vld [tilespmem:s16+$0x0]  }
0x32f: {  	v9 =	vld [tilespmem:s16+$0x10]  }
0x330: {  	v10 =	vld [tilespmem:s16+$0x20]  }
0x331: {  	v11 =	vld [tilespmem:s16+$0x30]  }
0x332: {  	v12 =	vld [tilespmem:s16+$0x40]  }
0x333: {  	v13 =	vld [tilespmem:s16+$0x50]  }
0x334: {  	v14 =	vld [tilespmem:s16+$0x60]  }
0x335: {  	v15 =	vld [tilespmem:s16+$0xFFFFFF80]  }
0x336: {  	v0 =	vld.idx.msk [tilespmem:v0+s4+$0x0], $0xffff  }
0x337: {  	v1 =	vld.idx.msk [tilespmem:v1+s4+$0x0], $0xffff  }
0x338: {  	v2 =	vld.idx.msk [tilespmem:v2+s4+$0x0], $0xffff  }
0x339: {  	v3 =	vld.idx.msk [tilespmem:v3+s4+$0x0], $0xffff  }
0x33a: {  	v4 =	vld.idx.msk [tilespmem:v4+s4+$0x0], $0xffff  }
0x33b: {  	s5 =	simm.s32 $0x1C780;
	v5 =	vld.idx.msk [tilespmem:v5+s4+$0x0], $0xffff  }
0x33c: {  	v6 =	vld.idx.msk [tilespmem:v6+s4+$0x0], $0xffff;
	[tilespmem:s5+$0x70] =	vst v0  }
0x33d: {  	v7 =	vld.idx.msk [tilespmem:v7+s4+$0x0], $0xffff;
	[tilespmem:s5+$0xFFFFFF90] =	vst v1  }
0x33e: {  	v15 =	vld.idx.msk [tilespmem:v15+s4+$0x0], $0xffff;
	[tilespmem:s5+$0xFFFFFFA0] =	vst v2  }
0x33f: {  	v8 =	vld.idx.msk [tilespmem:v8+s4+$0x0], $0xffff;
	[tilespmem:s5+$0xFFFFFFB0] =	vst v3  }
0x340: {  	[tilespmem:s5+$0xFFFFFFC0] =	vst v4;
	v0 =	vld.idx.msk [tilespmem:v9+s4+$0x0], $0xffff  }
0x341: {  	[tilespmem:s5+$0xFFFFFFD0] =	vst v5;
	v1 =	vld.idx.msk [tilespmem:v10+s4+$0x0], $0xffff  }
0x342: {  	[tilespmem:s5+$0xFFFFFFE0] =	vst v6;
	v2 =	vld.idx.msk [tilespmem:v11+s4+$0x0], $0xffff  }
0x343: {  	[tilespmem:s5+$0xFFFFFFF0] =	vst v7;
	v3 =	vld.idx.msk [tilespmem:v12+s4+$0x0], $0xffff  }
0x344: {  	[tilespmem:s5+$0xFFFFFF80] =	vst v15;
	v4 =	vld.idx.msk [tilespmem:v13+s4+$0x0], $0xffff  }
0x345: {  	s9 =	simm.s32 $0x0;
	s11 =	simm.s32 $0x19880;
	[tilespmem:s5+$0x0] =	vst v8;
	v5 =	vld.idx.msk [tilespmem:v14+s4+$0x0], $0xffff  }
.LBB2_24:
0x346: {  	v6 =	vld [tilespmem:s11+$0x70];
	s9 =	sadd.s32 $0x10, s9;
	[tilespmem:s5+$0x10] =	vst v0  }
0x347: {  	v0 =	vld [tilespmem:s11+$0xFFFFFF90];
	p0 =	slt.u32 s9, $0xF0;
	[tilespmem:s5+$0x20] =	vst v1  }
0x348: {  	v1 =	vld [tilespmem:s11+$0xFFFFFFA0];
	[tilespmem:s5+$0x30] =	vst v2  }
0x349: {  	v2 =	vld [tilespmem:s11+$0xFFFFFFB0];
	[tilespmem:s5+$0x40] =	vst v3  }
0x34a: {  	v3 =	vld [tilespmem:s11+$0xFFFFFFC0];
	[tilespmem:s5+$0x50] =	vst v4  }
0x34b: {  	v4 =	vld [tilespmem:s11+$0xFFFFFFD0];
	[tilespmem:s5+$0x60] =	vst v5  }
0x34c: {  	v5 =	vld [tilespmem:s11+$0xFFFFFFE0]  }
0x34d: {  	v7 =	vld [tilespmem:s11+$0xFFFFFFF0]  }
0x34e: {  	v6 =	vld.idx.msk [tilespmem:v6+s4+$0x0], $0xffff  }
0x34f: {  	v8 =	vld [tilespmem:s11+$0x0]  }
0x350: {  	v9 =	vld [tilespmem:s11+$0x10]  }
0x351: {  	v10 =	vld [tilespmem:s11+$0x20]  }
0x352: {  	v11 =	vld [tilespmem:s11+$0x30]  }
0x353: {  	s5 =	sadd.s32 $0x100, s5;
	v12 =	vld [tilespmem:s11+$0x40]  }
0x354: {  	v13 =	vld [tilespmem:s11+$0x50];
	[tilespmem:s5+$0x70] =	vst v6  }
0x355: {  	v6 =	vld [tilespmem:s11+$0x60]  }
0x356: {  	v14 =	vld [tilespmem:s11+$0xFFFFFF80]  }
0x357: {  	v0 =	vld.idx.msk [tilespmem:v0+s4+$0x0], $0xffff  }
0x358: {  	v1 =	vld.idx.msk [tilespmem:v1+s4+$0x0], $0xffff  }
0x359: {  	v2 =	vld.idx.msk [tilespmem:v2+s4+$0x0], $0xffff  }
0x35a: {  	v3 =	vld.idx.msk [tilespmem:v3+s4+$0x0], $0xffff  }
0x35b: {  	v4 =	vld.idx.msk [tilespmem:v4+s4+$0x0], $0xffff  }
0x35c: {  	v5 =	vld.idx.msk [tilespmem:v5+s4+$0x0], $0xffff  }
0x35d: {  	[tilespmem:s5+$0xFFFFFF90] =	vst v0;
	v7 =	vld.idx.msk [tilespmem:v7+s4+$0x0], $0xffff  }
0x35e: {  	v14 =	vld.idx.msk [tilespmem:v14+s4+$0x0], $0xffff;
	[tilespmem:s5+$0xFFFFFFA0] =	vst v1  }
0x35f: {  	[tilespmem:s5+$0xFFFFFFB0] =	vst v2;
	v8 =	vld.idx.msk [tilespmem:v8+s4+$0x0], $0xffff  }
0x360: {  	[tilespmem:s5+$0xFFFFFFC0] =	vst v3;
	v0 =	vld.idx.msk [tilespmem:v9+s4+$0x0], $0xffff  }
.Ltmp11:
0x361: {  	[tilespmem:s5+$0xFFFFFFD0] =	vst v4;
	v1 =	vld.idx.msk [tilespmem:v10+s4+$0x0], $0xffff;
	(pc) =	sbr.rel @p0 .LBB2_24-.Ltmp11, $4  }
0x362: {  	[tilespmem:s5+$0xFFFFFFE0] =	vst v5;
	v2 =	vld.idx.msk [tilespmem:v11+s4+$0x0], $0xffff  }
0x363: {  	[tilespmem:s5+$0xFFFFFFF0] =	vst v7;
	v3 =	vld.idx.msk [tilespmem:v12+s4+$0x0], $0xffff  }
0x364: {  	[tilespmem:s5+$0xFFFFFF80] =	vst v14;
	v4 =	vld.idx.msk [tilespmem:v13+s4+$0x0], $0xffff  }
0x365: {  	s11 =	sadd.s32 $0x100, s11;
	[tilespmem:s5+$0x0] =	vst v8;
	v5 =	vld.idx.msk [tilespmem:v6+s4+$0x0], $0xffff  }
0x366: {  	[tilespmem:s5+$0x10] =	vst v0  }
0x367: {  	[tilespmem:s5+$0x20] =	vst v1  }
0x368: {  	[tilespmem:s5+$0x30] =	vst v2  }
0x369: {  	[tilespmem:s5+$0x40] =	vst v3  }
0x36a: {  	[tilespmem:s5+$0x50] =	vst v4  }
0x36b: {  	[tilespmem:s5+$0x60] =	vst v5  }
0x36c: {  	[bflag:$0x0] =	sbarrier.arrive $0xFFFF  }
0x36d: {  	s15 =	rddreg [dreg:$0x9]  }
0x36e: {  	[hbm4b:s15+s17] =	stream.strided.scatter [tilespmem:s26], [sflag:$0x5], $0x1000, s18, s17, $0x38;
	[tilespmem:$0x1E700] =	vst v63  }
0x36f: {  	_ =	swait.ge [sflag:s3], $0x1000  }
0x370: {  	[sflag:s3] =	ssyncset.done $0x0  }
0x371: {  	[sflag:s3] =	ssyncadd.s32 $0xFFFFF000  }
0x372: {  	_ =	swait.ge [sflag:s30], $0x1000  }
0x373: {  	[sflag:s30] =	ssyncset.done $0x0  }
0x374: {  	[sflag:s30] =	ssyncadd.s32 $0xFFFFF000  }
0x375: {  	_ =	swait.ge [sflag:s31], $0x1000  }
0x376: {  	s0 =	sadd.s32 $0x1, s0;
	s16 =	rddreg [dreg:$0xa]  }
0x377: {  	p0 =	sne.s32 s0, s16  }
.Ltmp12:
0x378: {  	_ = 	snop;
	(pc) =	sbr.rel @p0 .LBB2_1-.Ltmp12, $3  }
0x379: {  	_ =	sdelay $0x1  }
0x37a: {  	[sflag:s31] =	ssyncset.done $0x0  }
0x37b: {  	[sflag:s31] =	ssyncadd.s32 $0xFFFFF000  }
0x37c: {  	_ =	sfence.sel $0x180000  }
0x37d: {  	[bflag:$0x0] =	sbarrier.arrive $0xFFFF  }
0x37e: {  	_ =	strace $0x90000047  }
0x37f: {  	s0 =	stileid.u32;
	[bflag:$0x2] =	sbarrier.arrive $0xFFFF  }
0x380: {  	p0 =	sne.s32 s0, $0x0;
	s0 =	rddreg [dreg:$0x3]  }
0x381: {  	s0 =	sadd.s32 @!p0 $0x100000, s0  }
0x382: {  	[sflag:s0] =	ssyncadd.tile.s32 @!p0 $0x1;
	_ =	shalt  }
.Lfunc_end2:
_tile_overlayer_lowered:
.L_overlay_start_2:
0x383: {  	(tag) =	ssettag $0x2  }
0x384: {  	s0 =	rddreg [dreg:$0x0];
	s2 =	stileid.u32  }
0x385: {  	s1 =	rddreg [dreg:$0x1];
	p0 =	sne.s32 s2, $0x0  }
0x386: {  	s3 =	rddreg [dreg:$0x2];
	[bflag:$0x3] =	sbarrier.arrive $0xFFFF;
	s2 =	simm.s32 @!p0 $0x1C07  }
0x387: {  	[timem:s3], [sflag:s2] =	dma.local @!p0 [hbm:s0], s1  }
0x388: {  	s0 =	simm.s32 @!p0 $0x7  }
0x389: {  	_ =	swait.ge @!p0 [sflag:s0], s1  }
0x38a: {  	s1 =	ssub.s32 @!p0 $0x0, s1;
	[sflag:s0] =	ssyncset.done @!p0 $0x0  }
0x38b: {  	[sflag:s0] =	ssyncadd.s32 @!p0 s1  }
0x38c: {  	[bflag:$0x3] =	sbarrier.arrive $0xFFFF  }
0x38d: {  	_ =	shalt  }

</sc_bundles>
